<compile_context>
chip_gen: v7x
topology: tpu7x:2x2x1
jax: 0.10.2.dev20260603
libtpu: 0.0.44.dev20260713+nightly
codegen_flags: <defaults>
</compile_context>

<pallas_src>
import functools

import jax
import jax.numpy as jnp
from jax import lax
from jax.experimental import pallas as pl
from jax.experimental.pallas import tpu as pltpu
from jax.experimental.pallas import tpu_sc as plsc

B, L = 4096, 200
N = B * L
EDIM = 16
OUT_F = 32
VOCAB = 65536

NC, NS = 2, 16
NW = NC * NS
PER_W = N // NW
CHUNK = 3200
NCHUNK = PER_W // CHUNK


def _gather_sc(table, idx, pos):
    mesh = plsc.VectorSubcoreMesh(core_axis_name="c", subcore_axis_name="s")

    @functools.partial(
        pl.kernel,
        mesh=mesh,
        compiler_params=pltpu.CompilerParams(use_tc_tiling_on_sc=False),
        out_type=jax.ShapeDtypeStruct((N, EDIM), jnp.float32),
        scratch_types=[
            pltpu.VMEM((CHUNK,), jnp.int32),
            pltpu.VMEM((CHUNK,), jnp.int32),
            pltpu.VMEM((CHUNK,), jnp.int32),
            pltpu.VMEM((CHUNK,), jnp.int32),
            pltpu.VMEM((CHUNK, EDIM), jnp.float32),
            pltpu.VMEM((CHUNK, EDIM), jnp.float32),
            pltpu.SemaphoreType.DMA,
        ],
    )
    def k(table_hbm, idx_hbm, pos_hbm, out_hbm, idx_v0, idx_v1, pos_v0,
          pos_v1, rows_v0, rows_v1, gsem):
        wid = lax.axis_index("s") * NC + lax.axis_index("c")
        base = wid * PER_W
        idx_bufs = (idx_v0, idx_v1)
        pos_bufs = (pos_v0, pos_v1)
        row_bufs = (rows_v0, rows_v1)

        def off(c):
            return base + c * CHUNK

        pltpu.sync_copy(idx_hbm.at[pl.ds(off(0), CHUNK)], idx_bufs[0])
        pltpu.sync_copy(pos_hbm.at[pl.ds(off(0), CHUNK)], pos_bufs[0])
        gathers = [pltpu.async_copy(table_hbm.at[idx_bufs[0]], row_bufs[0],
                                    gsem)]
        if NCHUNK > 1:
            pltpu.sync_copy(idx_hbm.at[pl.ds(off(1), CHUNK)], idx_bufs[1])
            pltpu.sync_copy(pos_hbm.at[pl.ds(off(1), CHUNK)], pos_bufs[1])
        for c in range(NCHUNK):
            gathers[c].wait()
            if c + 1 < NCHUNK:
                gathers.append(
                    pltpu.async_copy(table_hbm.at[idx_bufs[(c + 1) % 2]],
                                     row_bufs[(c + 1) % 2], gsem))
            pltpu.sync_copy(row_bufs[c % 2], out_hbm.at[pos_bufs[c % 2]])
            if c + 2 < NCHUNK:
                pltpu.sync_copy(idx_hbm.at[pl.ds(off(c + 2), CHUNK)],
                                idx_bufs[c % 2])
                pltpu.sync_copy(pos_hbm.at[pl.ds(off(c + 2), CHUNK)],
                                pos_bufs[c % 2])

    return k(table, idx, pos)


PK = B // 8


LB = 10


def _dense_body(lng_ref, lat_ref, s_ref, g_ref, wpack_ref, wst_ref, c_ref,
                o_ref):
    f32 = jnp.float32
    for j in range(LB):
        S = s_ref[j]
        acc = lax.dot_general(wst_ref[...], S, (((1,), (0,)), ((), ())),
                              preferred_element_type=f32)
        R = lax.dot_general(g_ref[j * PK:(j + 1) * PK],
                            wpack_ref[...], (((1,), (0,)), ((), ())),
                            preferred_element_type=f32)
        RT = jnp.transpose(R, (1, 0))
        acc += jnp.concatenate(
            [RT[OUT_F * s:OUT_F * (s + 1), :] for s in range(8)], axis=1)
        acc += c_ref[:, 0:1] * lng_ref[j]
        acc += c_ref[:, 1:2] * lat_ref[j]
        acc += c_ref[:, 2:3]
        o_ref[j] = jnp.tanh(acc)


def _dense_tc(lngT, latT, sdneT, grids2, wpack, wst, consts):
    return pl.pallas_call(
        _dense_body,
        grid=(L // LB,),
        in_specs=[
            pl.BlockSpec((LB, 1, B), lambda i: (i, 0, 0)),
            pl.BlockSpec((LB, 1, B), lambda i: (i, 0, 0)),
            pl.BlockSpec((LB, EDIM, B), lambda i: (i, 0, 0)),
            pl.BlockSpec((LB * PK, 128), lambda i: (i, 0)),
            pl.BlockSpec((128, 8 * OUT_F), lambda i: (0, 0)),
            pl.BlockSpec((OUT_F, EDIM), lambda i: (0, 0)),
            pl.BlockSpec((OUT_F, 128), lambda i: (0, 0)),
        ],
        out_specs=pl.BlockSpec((LB, OUT_F, B), lambda i: (i, 0, 0)),
        out_shape=jax.ShapeDtypeStruct((L, OUT_F, B), jnp.float32),
    )(lngT, latT, sdneT, grids2, wpack, wst, consts)


@jax.jit
def kernel(lngs, lats, grid_id, SDNE_embedding, emb_table, W, b):
    idx = jnp.transpose(grid_id, (1, 0)).reshape(N).astype(jnp.int32)
    t = jnp.arange(N, dtype=jnp.int32)
    tb = t % B
    pos = (t // B) * B + (tb % PK) * 8 + tb // PK
    lngT = jnp.transpose(lngs, (1, 0)).reshape(L, 1, B)
    latT = jnp.transpose(lats, (1, 0)).reshape(L, 1, B)
    sdneT = jnp.transpose(SDNE_embedding, (1, 2, 0))

    grids = _gather_sc(emb_table, idx, pos)
    grids2 = grids.reshape(N // 8, 128)

    wg = W[2:2 + EDIM]
    wpack = jax.scipy.linalg.block_diag(*([wg] * 8))
    wst = jnp.transpose(W[2 + EDIM:], (1, 0))
    consts = jnp.zeros((OUT_F, 128), jnp.float32)
    consts = consts.at[:, 0].set(W[0]).at[:, 1].set(W[1]).at[:, 2].set(b)

    outT = _dense_tc(lngT, latT, sdneT, grids2, wpack, wst, consts)
    return jnp.transpose(outT, (2, 0, 1))

# --- scband reference (transcript-rebuilt; emitter-appended) ---
"""Pipeline reference for scband-road-40664750359260 (READ-ONLY COPY).

The authoritative reference and input builder live on the scoring server;
editing this copy changes nothing except your own understanding.
"""

import jax, jax.numpy as jnp
import numpy as np

B, L = 4096, 200
VOCAB, EDIM = 256 * 256, 16
IN_F, OUT_F = 2 + 32, 32


def setup_inputs(seed: int = 0) -> dict:
    key = jax.random.key(seed)
    k1, k2, k3, k4, k5, k6, k7 = jax.random.split(key, 7)
    lngs = jax.random.uniform(k1, (B, L), dtype=jnp.float32)
    lats = jax.random.uniform(k2, (B, L), dtype=jnp.float32)
    grid_id = jax.random.randint(k3, (B, L), 0, VOCAB, dtype=jnp.int64)
    sdne = jax.random.normal(k4, (B, L, 16), dtype=jnp.float32)
    # nn.Embedding weight re-initialized uniform(-1, 1)
    emb_table = jax.random.uniform(k5, (VOCAB, EDIM), minval=-1.0, maxval=1.0, dtype=jnp.float32)
    # nn.Linear(34, 32): kaiming-uniform-ish init; store transposed weight [in, out]
    bound = 1.0 / np.sqrt(IN_F)
    W = jax.random.uniform(k6, (IN_F, OUT_F), minval=-bound, maxval=bound, dtype=jnp.float32)
    b = jax.random.uniform(k7, (OUT_F,), minval=-bound, maxval=bound, dtype=jnp.float32)
    return {"lngs": lngs, "lats": lats, "grid_id": grid_id, "SDNE_embedding": sdne,
            "emb_table": emb_table, "W": W, "b": b}


def reference(lngs, lats, grid_id, SDNE_embedding, emb_table, W, b):
    # grids = embedding(grid_id.unsqueeze(2)).squeeze() -> [B, L, 16]
    grids = jnp.take(emb_table, grid_id, axis=0)
    locs = jnp.concatenate([lngs[..., None], lats[..., None], grids, SDNE_embedding], axis=2)
    locs = locs @ W + b
    return jnp.tanh(locs)

if __name__ == "__main__":
    import jax
    _d = setup_inputs()
    print(jax.jit(kernel)(*tuple(_d.values())))

</pallas_src>

<mosaic_0001>
#map = affine_map<(d0, d1) -> (0, 0)>
#map1 = affine_map<(d0, d1) -> (0)>
module attributes {stable_mosaic.version = 14 : i64} {
  func.func @k(%arg0: i32, %arg1: i32, %arg2: memref<65536x16xf32, #tpu.memory_space<hbm>>, %arg3: memref<819200xi32, #tpu.memory_space<hbm>>, %arg4: memref<819200xi32, #tpu.memory_space<hbm>>, %arg5: memref<819200x16xf32, #tpu.memory_space<hbm>>, %arg6: memref<3200xi32, #tpu.memory_space<vmem>>, %arg7: memref<3200xi32, #tpu.memory_space<vmem>>, %arg8: memref<3200xi32, #tpu.memory_space<vmem>>, %arg9: memref<3200xi32, #tpu.memory_space<vmem>>, %arg10: memref<3200x16xf32, #tpu.memory_space<vmem>>, %arg11: memref<3200x16xf32, #tpu.memory_space<vmem>>, %arg12: memref<!tpu.dma_semaphore, #tpu.memory_space<semaphore_mem>>) attributes {dimension_semantics = [#tpu.dimension_semantics<core_parallel>, #tpu.dimension_semantics<subcore_parallel>], iteration_bounds = array<i64: 2, 16>, scalar_prefetch = 0 : i64, scratch_operands = 7 : i64, tpu.core_type = #tpu.core_type<sc_vector_subcore>, window_params = [{transform_indices = #map}, {transform_indices = #map1}, {transform_indices = #map1}, {transform_indices = #map}]} {
    %mul3A = arith.constant 2 : i32
    %mul3A_0 = arith.muli %arg1, %mul3A : i32
    %add3A = arith.addi %mul3A_0, %arg0 : i32
    %mul3A_1 = arith.constant 25600 : i32
    %mul3A_2 = arith.muli %add3A, %mul3A_1 : i32
    %add3A_3 = arith.constant 0 : i32
    %add3A_4 = arith.addi %mul3A_2, %add3A_3 : i32
    "tpu.region"() ({
      %run_scoped3A = tpu.sem_alloc : memref<!tpu.dma_semaphore, #tpu.memory_space<semaphore_mem>>
      %dma_start3A_81 = tpu.memref_slice %arg3[%add3A_4] : memref<819200xi32, #tpu.memory_space<hbm>> -> memref<3200xi32, #tpu.memory_space<hbm>>
      %dma_start3A_82 = tpu.memref_slice %arg3[%add3A_4] : memref<819200xi32, #tpu.memory_space<hbm>> -> memref<3200xi32, #tpu.memory_space<hbm>>
      tpu.enqueue_dma source(%dma_start3A_82 : memref<3200xi32, #tpu.memory_space<hbm>>) target(%arg6 : memref<3200xi32, #tpu.memory_space<vmem>>) target_semaphore(%run_scoped3A : memref<!tpu.dma_semaphore, #tpu.memory_space<semaphore_mem>>)
      %dma_wait3A_83 = tpu.memref_slice %arg3[%add3A_4] : memref<819200xi32, #tpu.memory_space<hbm>> -> memref<3200xi32, #tpu.memory_space<hbm>>
      %dma_wait3A_84 = tpu.memref_slice %arg3[%add3A_4] : memref<819200xi32, #tpu.memory_space<hbm>> -> memref<3200xi32, #tpu.memory_space<hbm>>
      tpu.wait_dma2 semaphore(%run_scoped3A : memref<!tpu.dma_semaphore, #tpu.memory_space<semaphore_mem>>) src(%dma_wait3A_84 : memref<3200xi32, #tpu.memory_space<hbm>>) dst(%arg6 : memref<3200xi32, #tpu.memory_space<vmem>>)
      tpu.yield
    }) : () -> ()
    %add3A_5 = arith.constant 0 : i32
    %add3A_6 = arith.addi %mul3A_2, %add3A_5 : i32
    "tpu.region"() ({
      %run_scoped3A = tpu.sem_alloc : memref<!tpu.dma_semaphore, #tpu.memory_space<semaphore_mem>>
      %dma_start3A_81 = tpu.memref_slice %arg4[%add3A_6] : memref<819200xi32, #tpu.memory_space<hbm>> -> memref<3200xi32, #tpu.memory_space<hbm>>
      %dma_start3A_82 = tpu.memref_slice %arg4[%add3A_6] : memref<819200xi32, #tpu.memory_space<hbm>> -> memref<3200xi32, #tpu.memory_space<hbm>>
      tpu.enqueue_dma source(%dma_start3A_82 : memref<3200xi32, #tpu.memory_space<hbm>>) target(%arg8 : memref<3200xi32, #tpu.memory_space<vmem>>) target_semaphore(%run_scoped3A : memref<!tpu.dma_semaphore, #tpu.memory_space<semaphore_mem>>)
      %dma_wait3A_83 = tpu.memref_slice %arg4[%add3A_6] : memref<819200xi32, #tpu.memory_space<hbm>> -> memref<3200xi32, #tpu.memory_space<hbm>>
      %dma_wait3A_84 = tpu.memref_slice %arg4[%add3A_6] : memref<819200xi32, #tpu.memory_space<hbm>> -> memref<3200xi32, #tpu.memory_space<hbm>>
      tpu.wait_dma2 semaphore(%run_scoped3A : memref<!tpu.dma_semaphore, #tpu.memory_space<semaphore_mem>>) src(%dma_wait3A_84 : memref<3200xi32, #tpu.memory_space<hbm>>) dst(%arg8 : memref<3200xi32, #tpu.memory_space<vmem>>)
      tpu.yield
    }) : () -> ()
    %dma_start3A = arith.constant 0 : i32
    %dma_start3A_7 = arith.constant 0 : i32
    %dma_start3A_8 = tpu.memref_slice %arg2[%dma_start3A, %dma_start3A_7] : memref<65536x16xf32, #tpu.memory_space<hbm>> -> memref<65536x16xf32, #tpu.memory_space<hbm>>
    tpu.enqueue_indirect_dma source(%dma_start3A_8 : memref<65536x16xf32, #tpu.memory_space<hbm>>) target(%arg10 : memref<3200x16xf32, #tpu.memory_space<vmem>>) offsets(%arg6 : memref<3200xi32, #tpu.memory_space<vmem>>) semaphore(%arg12 : memref<!tpu.dma_semaphore, #tpu.memory_space<semaphore_mem>>)
    %add3A_9 = arith.constant 3200 : i32
    %add3A_10 = arith.addi %mul3A_2, %add3A_9 : i32
    "tpu.region"() ({
      %run_scoped3A = tpu.sem_alloc : memref<!tpu.dma_semaphore, #tpu.memory_space<semaphore_mem>>
      %dma_start3A_81 = tpu.memref_slice %arg3[%add3A_10] : memref<819200xi32, #tpu.memory_space<hbm>> -> memref<3200xi32, #tpu.memory_space<hbm>>
      %dma_start3A_82 = tpu.memref_slice %arg3[%add3A_10] : memref<819200xi32, #tpu.memory_space<hbm>> -> memref<3200xi32, #tpu.memory_space<hbm>>
      tpu.enqueue_dma source(%dma_start3A_82 : memref<3200xi32, #tpu.memory_space<hbm>>) target(%arg7 : memref<3200xi32, #tpu.memory_space<vmem>>) target_semaphore(%run_scoped3A : memref<!tpu.dma_semaphore, #tpu.memory_space<semaphore_mem>>)
      %dma_wait3A_83 = tpu.memref_slice %arg3[%add3A_10] : memref<819200xi32, #tpu.memory_space<hbm>> -> memref<3200xi32, #tpu.memory_space<hbm>>
      %dma_wait3A_84 = tpu.memref_slice %arg3[%add3A_10] : memref<819200xi32, #tpu.memory_space<hbm>> -> memref<3200xi32, #tpu.memory_space<hbm>>
      tpu.wait_dma2 semaphore(%run_scoped3A : memref<!tpu.dma_semaphore, #tpu.memory_space<semaphore_mem>>) src(%dma_wait3A_84 : memref<3200xi32, #tpu.memory_space<hbm>>) dst(%arg7 : memref<3200xi32, #tpu.memory_space<vmem>>)
      tpu.yield
    }) : () -> ()
    %add3A_11 = arith.constant 3200 : i32
    %add3A_12 = arith.addi %mul3A_2, %add3A_11 : i32
    "tpu.region"() ({
      %run_scoped3A = tpu.sem_alloc : memref<!tpu.dma_semaphore, #tpu.memory_space<semaphore_mem>>
      %dma_start3A_81 = tpu.memref_slice %arg4[%add3A_12] : memref<819200xi32, #tpu.memory_space<hbm>> -> memref<3200xi32, #tpu.memory_space<hbm>>
      %dma_start3A_82 = tpu.memref_slice %arg4[%add3A_12] : memref<819200xi32, #tpu.memory_space<hbm>> -> memref<3200xi32, #tpu.memory_space<hbm>>
      tpu.enqueue_dma source(%dma_start3A_82 : memref<3200xi32, #tpu.memory_space<hbm>>) target(%arg9 : memref<3200xi32, #tpu.memory_space<vmem>>) target_semaphore(%run_scoped3A : memref<!tpu.dma_semaphore, #tpu.memory_space<semaphore_mem>>)
      %dma_wait3A_83 = tpu.memref_slice %arg4[%add3A_12] : memref<819200xi32, #tpu.memory_space<hbm>> -> memref<3200xi32, #tpu.memory_space<hbm>>
      %dma_wait3A_84 = tpu.memref_slice %arg4[%add3A_12] : memref<819200xi32, #tpu.memory_space<hbm>> -> memref<3200xi32, #tpu.memory_space<hbm>>
      tpu.wait_dma2 semaphore(%run_scoped3A : memref<!tpu.dma_semaphore, #tpu.memory_space<semaphore_mem>>) src(%dma_wait3A_84 : memref<3200xi32, #tpu.memory_space<hbm>>) dst(%arg9 : memref<3200xi32, #tpu.memory_space<vmem>>)
      tpu.yield
    }) : () -> ()
    %dma_wait3A = arith.constant 0 : i32
    %dma_wait3A_13 = arith.constant 0 : i32
    %dma_wait3A_14 = tpu.memref_slice %arg2[%dma_wait3A, %dma_wait3A_13] : memref<65536x16xf32, #tpu.memory_space<hbm>> -> memref<65536x16xf32, #tpu.memory_space<hbm>>
    tpu.wait_indirect_dma semaphore(%arg12 : memref<!tpu.dma_semaphore, #tpu.memory_space<semaphore_mem>>) src(%dma_wait3A_14 : memref<65536x16xf32, #tpu.memory_space<hbm>>) dst(%arg10 : memref<3200x16xf32, #tpu.memory_space<vmem>>)
    %dma_start3A_15 = arith.constant 0 : i32
    %dma_start3A_16 = arith.constant 0 : i32
    %dma_start3A_17 = tpu.memref_slice %arg2[%dma_start3A_15, %dma_start3A_16] : memref<65536x16xf32, #tpu.memory_space<hbm>> -> memref<65536x16xf32, #tpu.memory_space<hbm>>
    tpu.enqueue_indirect_dma source(%dma_start3A_17 : memref<65536x16xf32, #tpu.memory_space<hbm>>) target(%arg11 : memref<3200x16xf32, #tpu.memory_space<vmem>>) offsets(%arg7 : memref<3200xi32, #tpu.memory_space<vmem>>) semaphore(%arg12 : memref<!tpu.dma_semaphore, #tpu.memory_space<semaphore_mem>>)
    "tpu.region"() ({
      %run_scoped3A = tpu.sem_alloc : memref<!tpu.dma_semaphore, #tpu.memory_space<semaphore_mem>>
      %dma_start3A_81 = arith.constant 0 : i32
      %dma_start3A_82 = arith.constant 0 : i32
      %dma_start3A_83 = tpu.memref_slice %arg5[%dma_start3A_81, %dma_start3A_82] : memref<819200x16xf32, #tpu.memory_space<hbm>> -> memref<819200x16xf32, #tpu.memory_space<hbm>>
      tpu.enqueue_indirect_dma source(%arg10 : memref<3200x16xf32, #tpu.memory_space<vmem>>) target(%dma_start3A_83 : memref<819200x16xf32, #tpu.memory_space<hbm>>) offsets(%arg8 : memref<3200xi32, #tpu.memory_space<vmem>>) semaphore(%run_scoped3A : memref<!tpu.dma_semaphore, #tpu.memory_space<semaphore_mem>>)
      %dma_wait3A_84 = arith.constant 0 : i32
      %dma_wait3A_85 = arith.constant 0 : i32
      %dma_wait3A_86 = tpu.memref_slice %arg5[%dma_wait3A_84, %dma_wait3A_85] : memref<819200x16xf32, #tpu.memory_space<hbm>> -> memref<819200x16xf32, #tpu.memory_space<hbm>>
      tpu.wait_indirect_dma semaphore(%run_scoped3A : memref<!tpu.dma_semaphore, #tpu.memory_space<semaphore_mem>>) src(%arg10 : memref<3200x16xf32, #tpu.memory_space<vmem>>) dst(%dma_wait3A_86 : memref<819200x16xf32, #tpu.memory_space<hbm>>)
      tpu.yield
    }) : () -> ()
    %add3A_18 = arith.constant 6400 : i32
    %add3A_19 = arith.addi %mul3A_2, %add3A_18 : i32
    "tpu.region"() ({
      %run_scoped3A = tpu.sem_alloc : memref<!tpu.dma_semaphore, #tpu.memory_space<semaphore_mem>>
      %dma_start3A_81 = tpu.memref_slice %arg3[%add3A_19] : memref<819200xi32, #tpu.memory_space<hbm>> -> memref<3200xi32, #tpu.memory_space<hbm>>
      %dma_start3A_82 = tpu.memref_slice %arg3[%add3A_19] : memref<819200xi32, #tpu.memory_space<hbm>> -> memref<3200xi32, #tpu.memory_space<hbm>>
      tpu.enqueue_dma source(%dma_start3A_82 : memref<3200xi32, #tpu.memory_space<hbm>>) target(%arg6 : memref<3200xi32, #tpu.memory_space<vmem>>) target_semaphore(%run_scoped3A : memref<!tpu.dma_semaphore, #tpu.memory_space<semaphore_mem>>)
      %dma_wait3A_83 = tpu.memref_slice %arg3[%add3A_19] : memref<819200xi32, #tpu.memory_space<hbm>> -> memref<3200xi32, #tpu.memory_space<hbm>>
      %dma_wait3A_84 = tpu.memref_slice %arg3[%add3A_19] : memref<819200xi32, #tpu.memory_space<hbm>> -> memref<3200xi32, #tpu.memory_space<hbm>>
      tpu.wait_dma2 semaphore(%run_scoped3A : memref<!tpu.dma_semaphore, #tpu.memory_space<semaphore_mem>>) src(%dma_wait3A_84 : memref<3200xi32, #tpu.memory_space<hbm>>) dst(%arg6 : memref<3200xi32, #tpu.memory_space<vmem>>)
      tpu.yield
    }) : () -> ()
    %add3A_20 = arith.constant 6400 : i32
    %add3A_21 = arith.addi %mul3A_2, %add3A_20 : i32
    "tpu.region"() ({
      %run_scoped3A = tpu.sem_alloc : memref<!tpu.dma_semaphore, #tpu.memory_space<semaphore_mem>>
      %dma_start3A_81 = tpu.memref_slice %arg4[%add3A_21] : memref<819200xi32, #tpu.memory_space<hbm>> -> memref<3200xi32, #tpu.memory_space<hbm>>
      %dma_start3A_82 = tpu.memref_slice %arg4[%add3A_21] : memref<819200xi32, #tpu.memory_space<hbm>> -> memref<3200xi32, #tpu.memory_space<hbm>>
      tpu.enqueue_dma source(%dma_start3A_82 : memref<3200xi32, #tpu.memory_space<hbm>>) target(%arg8 : memref<3200xi32, #tpu.memory_space<vmem>>) target_semaphore(%run_scoped3A : memref<!tpu.dma_semaphore, #tpu.memory_space<semaphore_mem>>)
      %dma_wait3A_83 = tpu.memref_slice %arg4[%add3A_21] : memref<819200xi32, #tpu.memory_space<hbm>> -> memref<3200xi32, #tpu.memory_space<hbm>>
      %dma_wait3A_84 = tpu.memref_slice %arg4[%add3A_21] : memref<819200xi32, #tpu.memory_space<hbm>> -> memref<3200xi32, #tpu.memory_space<hbm>>
      tpu.wait_dma2 semaphore(%run_scoped3A : memref<!tpu.dma_semaphore, #tpu.memory_space<semaphore_mem>>) src(%dma_wait3A_84 : memref<3200xi32, #tpu.memory_space<hbm>>) dst(%arg8 : memref<3200xi32, #tpu.memory_space<vmem>>)
      tpu.yield
    }) : () -> ()
    %dma_wait3A_22 = arith.constant 0 : i32
    %dma_wait3A_23 = arith.constant 0 : i32
    %dma_wait3A_24 = tpu.memref_slice %arg2[%dma_wait3A_22, %dma_wait3A_23] : memref<65536x16xf32, #tpu.memory_space<hbm>> -> memref<65536x16xf32, #tpu.memory_space<hbm>>
    tpu.wait_indirect_dma semaphore(%arg12 : memref<!tpu.dma_semaphore, #tpu.memory_space<semaphore_mem>>) src(%dma_wait3A_24 : memref<65536x16xf32, #tpu.memory_space<hbm>>) dst(%arg11 : memref<3200x16xf32, #tpu.memory_space<vmem>>)
    %dma_start3A_25 = arith.constant 0 : i32
    %dma_start3A_26 = arith.constant 0 : i32
    %dma_start3A_27 = tpu.memref_slice %arg2[%dma_start3A_25, %dma_start3A_26] : memref<65536x16xf32, #tpu.memory_space<hbm>> -> memref<65536x16xf32, #tpu.memory_space<hbm>>
    tpu.enqueue_indirect_dma source(%dma_start3A_27 : memref<65536x16xf32, #tpu.memory_space<hbm>>) target(%arg10 : memref<3200x16xf32, #tpu.memory_space<vmem>>) offsets(%arg6 : memref<3200xi32, #tpu.memory_space<vmem>>) semaphore(%arg12 : memref<!tpu.dma_semaphore, #tpu.memory_space<semaphore_mem>>)
    "tpu.region"() ({
      %run_scoped3A = tpu.sem_alloc : memref<!tpu.dma_semaphore, #tpu.memory_space<semaphore_mem>>
      %dma_start3A_81 = arith.constant 0 : i32
      %dma_start3A_82 = arith.constant 0 : i32
      %dma_start3A_83 = tpu.memref_slice %arg5[%dma_start3A_81, %dma_start3A_82] : memref<819200x16xf32, #tpu.memory_space<hbm>> -> memref<819200x16xf32, #tpu.memory_space<hbm>>
      tpu.enqueue_indirect_dma source(%arg11 : memref<3200x16xf32, #tpu.memory_space<vmem>>) target(%dma_start3A_83 : memref<819200x16xf32, #tpu.memory_space<hbm>>) offsets(%arg9 : memref<3200xi32, #tpu.memory_space<vmem>>) semaphore(%run_scoped3A : memref<!tpu.dma_semaphore, #tpu.memory_space<semaphore_mem>>)
      %dma_wait3A_84 = arith.constant 0 : i32
      %dma_wait3A_85 = arith.constant 0 : i32
      %dma_wait3A_86 = tpu.memref_slice %arg5[%dma_wait3A_84, %dma_wait3A_85] : memref<819200x16xf32, #tpu.memory_space<hbm>> -> memref<819200x16xf32, #tpu.memory_space<hbm>>
      tpu.wait_indirect_dma semaphore(%run_scoped3A : memref<!tpu.dma_semaphore, #tpu.memory_space<semaphore_mem>>) src(%arg11 : memref<3200x16xf32, #tpu.memory_space<vmem>>) dst(%dma_wait3A_86 : memref<819200x16xf32, #tpu.memory_space<hbm>>)
      tpu.yield
    }) : () -> ()
    %add3A_28 = arith.constant 9600 : i32
    %add3A_29 = arith.addi %mul3A_2, %add3A_28 : i32
    "tpu.region"() ({
      %run_scoped3A = tpu.sem_alloc : memref<!tpu.dma_semaphore, #tpu.memory_space<semaphore_mem>>
      %dma_start3A_81 = tpu.memref_slice %arg3[%add3A_29] : memref<819200xi32, #tpu.memory_space<hbm>> -> memref<3200xi32, #tpu.memory_space<hbm>>
      %dma_start3A_82 = tpu.memref_slice %arg3[%add3A_29] : memref<819200xi32, #tpu.memory_space<hbm>> -> memref<3200xi32, #tpu.memory_space<hbm>>
      tpu.enqueue_dma source(%dma_start3A_82 : memref<3200xi32, #tpu.memory_space<hbm>>) target(%arg7 : memref<3200xi32, #tpu.memory_space<vmem>>) target_semaphore(%run_scoped3A : memref<!tpu.dma_semaphore, #tpu.memory_space<semaphore_mem>>)
      %dma_wait3A_83 = tpu.memref_slice %arg3[%add3A_29] : memref<819200xi32, #tpu.memory_space<hbm>> -> memref<3200xi32, #tpu.memory_space<hbm>>
      %dma_wait3A_84 = tpu.memref_slice %arg3[%add3A_29] : memref<819200xi32, #tpu.memory_space<hbm>> -> memref<3200xi32, #tpu.memory_space<hbm>>
      tpu.wait_dma2 semaphore(%run_scoped3A : memref<!tpu.dma_semaphore, #tpu.memory_space<semaphore_mem>>) src(%dma_wait3A_84 : memref<3200xi32, #tpu.memory_space<hbm>>) dst(%arg7 : memref<3200xi32, #tpu.memory_space<vmem>>)
      tpu.yield
    }) : () -> ()
    %add3A_30 = arith.constant 9600 : i32
    %add3A_31 = arith.addi %mul3A_2, %add3A_30 : i32
    "tpu.region"() ({
      %run_scoped3A = tpu.sem_alloc : memref<!tpu.dma_semaphore, #tpu.memory_space<semaphore_mem>>
      %dma_start3A_81 = tpu.memref_slice %arg4[%add3A_31] : memref<819200xi32, #tpu.memory_space<hbm>> -> memref<3200xi32, #tpu.memory_space<hbm>>
      %dma_start3A_82 = tpu.memref_slice %arg4[%add3A_31] : memref<819200xi32, #tpu.memory_space<hbm>> -> memref<3200xi32, #tpu.memory_space<hbm>>
      tpu.enqueue_dma source(%dma_start3A_82 : memref<3200xi32, #tpu.memory_space<hbm>>) target(%arg9 : memref<3200xi32, #tpu.memory_space<vmem>>) target_semaphore(%run_scoped3A : memref<!tpu.dma_semaphore, #tpu.memory_space<semaphore_mem>>)
      %dma_wait3A_83 = tpu.memref_slice %arg4[%add3A_31] : memref<819200xi32, #tpu.memory_space<hbm>> -> memref<3200xi32, #tpu.memory_space<hbm>>
      %dma_wait3A_84 = tpu.memref_slice %arg4[%add3A_31] : memref<819200xi32, #tpu.memory_space<hbm>> -> memref<3200xi32, #tpu.memory_space<hbm>>
      tpu.wait_dma2 semaphore(%run_scoped3A : memref<!tpu.dma_semaphore, #tpu.memory_space<semaphore_mem>>) src(%dma_wait3A_84 : memref<3200xi32, #tpu.memory_space<hbm>>) dst(%arg9 : memref<3200xi32, #tpu.memory_space<vmem>>)
      tpu.yield
    }) : () -> ()
    %dma_wait3A_32 = arith.constant 0 : i32
    %dma_wait3A_33 = arith.constant 0 : i32
    %dma_wait3A_34 = tpu.memref_slice %arg2[%dma_wait3A_32, %dma_wait3A_33] : memref<65536x16xf32, #tpu.memory_space<hbm>> -> memref<65536x16xf32, #tpu.memory_space<hbm>>
    tpu.wait_indirect_dma semaphore(%arg12 : memref<!tpu.dma_semaphore, #tpu.memory_space<semaphore_mem>>) src(%dma_wait3A_34 : memref<65536x16xf32, #tpu.memory_space<hbm>>) dst(%arg10 : memref<3200x16xf32, #tpu.memory_space<vmem>>)
    %dma_start3A_35 = arith.constant 0 : i32
    %dma_start3A_36 = arith.constant 0 : i32
    %dma_start3A_37 = tpu.memref_slice %arg2[%dma_start3A_35, %dma_start3A_36] : memref<65536x16xf32, #tpu.memory_space<hbm>> -> memref<65536x16xf32, #tpu.memory_space<hbm>>
    tpu.enqueue_indirect_dma source(%dma_start3A_37 : memref<65536x16xf32, #tpu.memory_space<hbm>>) target(%arg11 : memref<3200x16xf32, #tpu.memory_space<vmem>>) offsets(%arg7 : memref<3200xi32, #tpu.memory_space<vmem>>) semaphore(%arg12 : memref<!tpu.dma_semaphore, #tpu.memory_space<semaphore_mem>>)
    "tpu.region"() ({
      %run_scoped3A = tpu.sem_alloc : memref<!tpu.dma_semaphore, #tpu.memory_space<semaphore_mem>>
      %dma_start3A_81 = arith.constant 0 : i32
      %dma_start3A_82 = arith.constant 0 : i32
      %dma_start3A_83 = tpu.memref_slice %arg5[%dma_start3A_81, %dma_start3A_82] : memref<819200x16xf32, #tpu.memory_space<hbm>> -> memref<819200x16xf32, #tpu.memory_space<hbm>>
      tpu.enqueue_indirect_dma source(%arg10 : memref<3200x16xf32, #tpu.memory_space<vmem>>) target(%dma_start3A_83 : memref<819200x16xf32, #tpu.memory_space<hbm>>) offsets(%arg8 : memref<3200xi32, #tpu.memory_space<vmem>>) semaphore(%run_scoped3A : memref<!tpu.dma_semaphore, #tpu.memory_space<semaphore_mem>>)
      %dma_wait3A_84 = arith.constant 0 : i32
      %dma_wait3A_85 = arith.constant 0 : i32
      %dma_wait3A_86 = tpu.memref_slice %arg5[%dma_wait3A_84, %dma_wait3A_85] : memref<819200x16xf32, #tpu.memory_space<hbm>> -> memref<819200x16xf32, #tpu.memory_space<hbm>>
      tpu.wait_indirect_dma semaphore(%run_scoped3A : memref<!tpu.dma_semaphore, #tpu.memory_space<semaphore_mem>>) src(%arg10 : memref<3200x16xf32, #tpu.memory_space<vmem>>) dst(%dma_wait3A_86 : memref<819200x16xf32, #tpu.memory_space<hbm>>)
      tpu.yield
    }) : () -> ()
    %add3A_38 = arith.constant 12800 : i32
    %add3A_39 = arith.addi %mul3A_2, %add3A_38 : i32
    "tpu.region"() ({
      %run_scoped3A = tpu.sem_alloc : memref<!tpu.dma_semaphore, #tpu.memory_space<semaphore_mem>>
      %dma_start3A_81 = tpu.memref_slice %arg3[%add3A_39] : memref<819200xi32, #tpu.memory_space<hbm>> -> memref<3200xi32, #tpu.memory_space<hbm>>
      %dma_start3A_82 = tpu.memref_slice %arg3[%add3A_39] : memref<819200xi32, #tpu.memory_space<hbm>> -> memref<3200xi32, #tpu.memory_space<hbm>>
      tpu.enqueue_dma source(%dma_start3A_82 : memref<3200xi32, #tpu.memory_space<hbm>>) target(%arg6 : memref<3200xi32, #tpu.memory_space<vmem>>) target_semaphore(%run_scoped3A : memref<!tpu.dma_semaphore, #tpu.memory_space<semaphore_mem>>)
      %dma_wait3A_83 = tpu.memref_slice %arg3[%add3A_39] : memref<819200xi32, #tpu.memory_space<hbm>> -> memref<3200xi32, #tpu.memory_space<hbm>>
      %dma_wait3A_84 = tpu.memref_slice %arg3[%add3A_39] : memref<819200xi32, #tpu.memory_space<hbm>> -> memref<3200xi32, #tpu.memory_space<hbm>>
      tpu.wait_dma2 semaphore(%run_scoped3A : memref<!tpu.dma_semaphore, #tpu.memory_space<semaphore_mem>>) src(%dma_wait3A_84 : memref<3200xi32, #tpu.memory_space<hbm>>) dst(%arg6 : memref<3200xi32, #tpu.memory_space<vmem>>)
      tpu.yield
    }) : () -> ()
    %add3A_40 = arith.constant 12800 : i32
    %add3A_41 = arith.addi %mul3A_2, %add3A_40 : i32
    "tpu.region"() ({
      %run_scoped3A = tpu.sem_alloc : memref<!tpu.dma_semaphore, #tpu.memory_space<semaphore_mem>>
      %dma_start3A_81 = tpu.memref_slice %arg4[%add3A_41] : memref<819200xi32, #tpu.memory_space<hbm>> -> memref<3200xi32, #tpu.memory_space<hbm>>
      %dma_start3A_82 = tpu.memref_slice %arg4[%add3A_41] : memref<819200xi32, #tpu.memory_space<hbm>> -> memref<3200xi32, #tpu.memory_space<hbm>>
      tpu.enqueue_dma source(%dma_start3A_82 : memref<3200xi32, #tpu.memory_space<hbm>>) target(%arg8 : memref<3200xi32, #tpu.memory_space<vmem>>) target_semaphore(%run_scoped3A : memref<!tpu.dma_semaphore, #tpu.memory_space<semaphore_mem>>)
      %dma_wait3A_83 = tpu.memref_slice %arg4[%add3A_41] : memref<819200xi32, #tpu.memory_space<hbm>> -> memref<3200xi32, #tpu.memory_space<hbm>>
      %dma_wait3A_84 = tpu.memref_slice %arg4[%add3A_41] : memref<819200xi32, #tpu.memory_space<hbm>> -> memref<3200xi32, #tpu.memory_space<hbm>>
      tpu.wait_dma2 semaphore(%run_scoped3A : memref<!tpu.dma_semaphore, #tpu.memory_space<semaphore_mem>>) src(%dma_wait3A_84 : memref<3200xi32, #tpu.memory_space<hbm>>) dst(%arg8 : memref<3200xi32, #tpu.memory_space<vmem>>)
      tpu.yield
    }) : () -> ()
    %dma_wait3A_42 = arith.constant 0 : i32
    %dma_wait3A_43 = arith.constant 0 : i32
    %dma_wait3A_44 = tpu.memref_slice %arg2[%dma_wait3A_42, %dma_wait3A_43] : memref<65536x16xf32, #tpu.memory_space<hbm>> -> memref<65536x16xf32, #tpu.memory_space<hbm>>
    tpu.wait_indirect_dma semaphore(%arg12 : memref<!tpu.dma_semaphore, #tpu.memory_space<semaphore_mem>>) src(%dma_wait3A_44 : memref<65536x16xf32, #tpu.memory_space<hbm>>) dst(%arg11 : memref<3200x16xf32, #tpu.memory_space<vmem>>)
    %dma_start3A_45 = arith.constant 0 : i32
    %dma_start3A_46 = arith.constant 0 : i32
    %dma_start3A_47 = tpu.memref_slice %arg2[%dma_start3A_45, %dma_start3A_46] : memref<65536x16xf32, #tpu.memory_space<hbm>> -> memref<65536x16xf32, #tpu.memory_space<hbm>>
    tpu.enqueue_indirect_dma source(%dma_start3A_47 : memref<65536x16xf32, #tpu.memory_space<hbm>>) target(%arg10 : memref<3200x16xf32, #tpu.memory_space<vmem>>) offsets(%arg6 : memref<3200xi32, #tpu.memory_space<vmem>>) semaphore(%arg12 : memref<!tpu.dma_semaphore, #tpu.memory_space<semaphore_mem>>)
    "tpu.region"() ({
      %run_scoped3A = tpu.sem_alloc : memref<!tpu.dma_semaphore, #tpu.memory_space<semaphore_mem>>
      %dma_start3A_81 = arith.constant 0 : i32
      %dma_start3A_82 = arith.constant 0 : i32
      %dma_start3A_83 = tpu.memref_slice %arg5[%dma_start3A_81, %dma_start3A_82] : memref<819200x16xf32, #tpu.memory_space<hbm>> -> memref<819200x16xf32, #tpu.memory_space<hbm>>
      tpu.enqueue_indirect_dma source(%arg11 : memref<3200x16xf32, #tpu.memory_space<vmem>>) target(%dma_start3A_83 : memref<819200x16xf32, #tpu.memory_space<hbm>>) offsets(%arg9 : memref<3200xi32, #tpu.memory_space<vmem>>) semaphore(%run_scoped3A : memref<!tpu.dma_semaphore, #tpu.memory_space<semaphore_mem>>)
      %dma_wait3A_84 = arith.constant 0 : i32
      %dma_wait3A_85 = arith.constant 0 : i32
      %dma_wait3A_86 = tpu.memref_slice %arg5[%dma_wait3A_84, %dma_wait3A_85] : memref<819200x16xf32, #tpu.memory_space<hbm>> -> memref<819200x16xf32, #tpu.memory_space<hbm>>
      tpu.wait_indirect_dma semaphore(%run_scoped3A : memref<!tpu.dma_semaphore, #tpu.memory_space<semaphore_mem>>) src(%arg11 : memref<3200x16xf32, #tpu.memory_space<vmem>>) dst(%dma_wait3A_86 : memref<819200x16xf32, #tpu.memory_space<hbm>>)
      tpu.yield
    }) : () -> ()
    %add3A_48 = arith.constant 16000 : i32
    %add3A_49 = arith.addi %mul3A_2, %add3A_48 : i32
    "tpu.region"() ({
      %run_scoped3A = tpu.sem_alloc : memref<!tpu.dma_semaphore, #tpu.memory_space<semaphore_mem>>
      %dma_start3A_81 = tpu.memref_slice %arg3[%add3A_49] : memref<819200xi32, #tpu.memory_space<hbm>> -> memref<3200xi32, #tpu.memory_space<hbm>>
      %dma_start3A_82 = tpu.memref_slice %arg3[%add3A_49] : memref<819200xi32, #tpu.memory_space<hbm>> -> memref<3200xi32, #tpu.memory_space<hbm>>
      tpu.enqueue_dma source(%dma_start3A_82 : memref<3200xi32, #tpu.memory_space<hbm>>) target(%arg7 : memref<3200xi32, #tpu.memory_space<vmem>>) target_semaphore(%run_scoped3A : memref<!tpu.dma_semaphore, #tpu.memory_space<semaphore_mem>>)
      %dma_wait3A_83 = tpu.memref_slice %arg3[%add3A_49] : memref<819200xi32, #tpu.memory_space<hbm>> -> memref<3200xi32, #tpu.memory_space<hbm>>
      %dma_wait3A_84 = tpu.memref_slice %arg3[%add3A_49] : memref<819200xi32, #tpu.memory_space<hbm>> -> memref<3200xi32, #tpu.memory_space<hbm>>
      tpu.wait_dma2 semaphore(%run_scoped3A : memref<!tpu.dma_semaphore, #tpu.memory_space<semaphore_mem>>) src(%dma_wait3A_84 : memref<3200xi32, #tpu.memory_space<hbm>>) dst(%arg7 : memref<3200xi32, #tpu.memory_space<vmem>>)
      tpu.yield
    }) : () -> ()
    %add3A_50 = arith.constant 16000 : i32
    %add3A_51 = arith.addi %mul3A_2, %add3A_50 : i32
    "tpu.region"() ({
      %run_scoped3A = tpu.sem_alloc : memref<!tpu.dma_semaphore, #tpu.memory_space<semaphore_mem>>
      %dma_start3A_81 = tpu.memref_slice %arg4[%add3A_51] : memref<819200xi32, #tpu.memory_space<hbm>> -> memref<3200xi32, #tpu.memory_space<hbm>>
      %dma_start3A_82 = tpu.memref_slice %arg4[%add3A_51] : memref<819200xi32, #tpu.memory_space<hbm>> -> memref<3200xi32, #tpu.memory_space<hbm>>
      tpu.enqueue_dma source(%dma_start3A_82 : memref<3200xi32, #tpu.memory_space<hbm>>) target(%arg9 : memref<3200xi32, #tpu.memory_space<vmem>>) target_semaphore(%run_scoped3A : memref<!tpu.dma_semaphore, #tpu.memory_space<semaphore_mem>>)
      %dma_wait3A_83 = tpu.memref_slice %arg4[%add3A_51] : memref<819200xi32, #tpu.memory_space<hbm>> -> memref<3200xi32, #tpu.memory_space<hbm>>
      %dma_wait3A_84 = tpu.memref_slice %arg4[%add3A_51] : memref<819200xi32, #tpu.memory_space<hbm>> -> memref<3200xi32, #tpu.memory_space<hbm>>
      tpu.wait_dma2 semaphore(%run_scoped3A : memref<!tpu.dma_semaphore, #tpu.memory_space<semaphore_mem>>) src(%dma_wait3A_84 : memref<3200xi32, #tpu.memory_space<hbm>>) dst(%arg9 : memref<3200xi32, #tpu.memory_space<vmem>>)
      tpu.yield
    }) : () -> ()
    %dma_wait3A_52 = arith.constant 0 : i32
    %dma_wait3A_53 = arith.constant 0 : i32
    %dma_wait3A_54 = tpu.memref_slice %arg2[%dma_wait3A_52, %dma_wait3A_53] : memref<65536x16xf32, #tpu.memory_space<hbm>> -> memref<65536x16xf32, #tpu.memory_space<hbm>>
    tpu.wait_indirect_dma semaphore(%arg12 : memref<!tpu.dma_semaphore, #tpu.memory_space<semaphore_mem>>) src(%dma_wait3A_54 : memref<65536x16xf32, #tpu.memory_space<hbm>>) dst(%arg10 : memref<3200x16xf32, #tpu.memory_space<vmem>>)
    %dma_start3A_55 = arith.constant 0 : i32
    %dma_start3A_56 = arith.constant 0 : i32
    %dma_start3A_57 = tpu.memref_slice %arg2[%dma_start3A_55, %dma_start3A_56] : memref<65536x16xf32, #tpu.memory_space<hbm>> -> memref<65536x16xf32, #tpu.memory_space<hbm>>
    tpu.enqueue_indirect_dma source(%dma_start3A_57 : memref<65536x16xf32, #tpu.memory_space<hbm>>) target(%arg11 : memref<3200x16xf32, #tpu.memory_space<vmem>>) offsets(%arg7 : memref<3200xi32, #tpu.memory_space<vmem>>) semaphore(%arg12 : memref<!tpu.dma_semaphore, #tpu.memory_space<semaphore_mem>>)
    "tpu.region"() ({
      %run_scoped3A = tpu.sem_alloc : memref<!tpu.dma_semaphore, #tpu.memory_space<semaphore_mem>>
      %dma_start3A_81 = arith.constant 0 : i32
      %dma_start3A_82 = arith.constant 0 : i32
      %dma_start3A_83 = tpu.memref_slice %arg5[%dma_start3A_81, %dma_start3A_82] : memref<819200x16xf32, #tpu.memory_space<hbm>> -> memref<819200x16xf32, #tpu.memory_space<hbm>>
      tpu.enqueue_indirect_dma source(%arg10 : memref<3200x16xf32, #tpu.memory_space<vmem>>) target(%dma_start3A_83 : memref<819200x16xf32, #tpu.memory_space<hbm>>) offsets(%arg8 : memref<3200xi32, #tpu.memory_space<vmem>>) semaphore(%run_scoped3A : memref<!tpu.dma_semaphore, #tpu.memory_space<semaphore_mem>>)
      %dma_wait3A_84 = arith.constant 0 : i32
      %dma_wait3A_85 = arith.constant 0 : i32
      %dma_wait3A_86 = tpu.memref_slice %arg5[%dma_wait3A_84, %dma_wait3A_85] : memref<819200x16xf32, #tpu.memory_space<hbm>> -> memref<819200x16xf32, #tpu.memory_space<hbm>>
      tpu.wait_indirect_dma semaphore(%run_scoped3A : memref<!tpu.dma_semaphore, #tpu.memory_space<semaphore_mem>>) src(%arg10 : memref<3200x16xf32, #tpu.memory_space<vmem>>) dst(%dma_wait3A_86 : memref<819200x16xf32, #tpu.memory_space<hbm>>)
      tpu.yield
    }) : () -> ()
    %add3A_58 = arith.constant 19200 : i32
    %add3A_59 = arith.addi %mul3A_2, %add3A_58 : i32
    "tpu.region"() ({
      %run_scoped3A = tpu.sem_alloc : memref<!tpu.dma_semaphore, #tpu.memory_space<semaphore_mem>>
      %dma_start3A_81 = tpu.memref_slice %arg3[%add3A_59] : memref<819200xi32, #tpu.memory_space<hbm>> -> memref<3200xi32, #tpu.memory_space<hbm>>
      %dma_start3A_82 = tpu.memref_slice %arg3[%add3A_59] : memref<819200xi32, #tpu.memory_space<hbm>> -> memref<3200xi32, #tpu.memory_space<hbm>>
      tpu.enqueue_dma source(%dma_start3A_82 : memref<3200xi32, #tpu.memory_space<hbm>>) target(%arg6 : memref<3200xi32, #tpu.memory_space<vmem>>) target_semaphore(%run_scoped3A : memref<!tpu.dma_semaphore, #tpu.memory_space<semaphore_mem>>)
      %dma_wait3A_83 = tpu.memref_slice %arg3[%add3A_59] : memref<819200xi32, #tpu.memory_space<hbm>> -> memref<3200xi32, #tpu.memory_space<hbm>>
      %dma_wait3A_84 = tpu.memref_slice %arg3[%add3A_59] : memref<819200xi32, #tpu.memory_space<hbm>> -> memref<3200xi32, #tpu.memory_space<hbm>>
      tpu.wait_dma2 semaphore(%run_scoped3A : memref<!tpu.dma_semaphore, #tpu.memory_space<semaphore_mem>>) src(%dma_wait3A_84 : memref<3200xi32, #tpu.memory_space<hbm>>) dst(%arg6 : memref<3200xi32, #tpu.memory_space<vmem>>)
      tpu.yield
    }) : () -> ()
    %add3A_60 = arith.constant 19200 : i32
    %add3A_61 = arith.addi %mul3A_2, %add3A_60 : i32
    "tpu.region"() ({
      %run_scoped3A = tpu.sem_alloc : memref<!tpu.dma_semaphore, #tpu.memory_space<semaphore_mem>>
      %dma_start3A_81 = tpu.memref_slice %arg4[%add3A_61] : memref<819200xi32, #tpu.memory_space<hbm>> -> memref<3200xi32, #tpu.memory_space<hbm>>
      %dma_start3A_82 = tpu.memref_slice %arg4[%add3A_61] : memref<819200xi32, #tpu.memory_space<hbm>> -> memref<3200xi32, #tpu.memory_space<hbm>>
      tpu.enqueue_dma source(%dma_start3A_82 : memref<3200xi32, #tpu.memory_space<hbm>>) target(%arg8 : memref<3200xi32, #tpu.memory_space<vmem>>) target_semaphore(%run_scoped3A : memref<!tpu.dma_semaphore, #tpu.memory_space<semaphore_mem>>)
      %dma_wait3A_83 = tpu.memref_slice %arg4[%add3A_61] : memref<819200xi32, #tpu.memory_space<hbm>> -> memref<3200xi32, #tpu.memory_space<hbm>>
      %dma_wait3A_84 = tpu.memref_slice %arg4[%add3A_61] : memref<819200xi32, #tpu.memory_space<hbm>> -> memref<3200xi32, #tpu.memory_space<hbm>>
      tpu.wait_dma2 semaphore(%run_scoped3A : memref<!tpu.dma_semaphore, #tpu.memory_space<semaphore_mem>>) src(%dma_wait3A_84 : memref<3200xi32, #tpu.memory_space<hbm>>) dst(%arg8 : memref<3200xi32, #tpu.memory_space<vmem>>)
      tpu.yield
    }) : () -> ()
    %dma_wait3A_62 = arith.constant 0 : i32
    %dma_wait3A_63 = arith.constant 0 : i32
    %dma_wait3A_64 = tpu.memref_slice %arg2[%dma_wait3A_62, %dma_wait3A_63] : memref<65536x16xf32, #tpu.memory_space<hbm>> -> memref<65536x16xf32, #tpu.memory_space<hbm>>
    tpu.wait_indirect_dma semaphore(%arg12 : memref<!tpu.dma_semaphore, #tpu.memory_space<semaphore_mem>>) src(%dma_wait3A_64 : memref<65536x16xf32, #tpu.memory_space<hbm>>) dst(%arg11 : memref<3200x16xf32, #tpu.memory_space<vmem>>)
    %dma_start3A_65 = arith.constant 0 : i32
    %dma_start3A_66 = arith.constant 0 : i32
    %dma_start3A_67 = tpu.memref_slice %arg2[%dma_start3A_65, %dma_start3A_66] : memref<65536x16xf32, #tpu.memory_space<hbm>> -> memref<65536x16xf32, #tpu.memory_space<hbm>>
    tpu.enqueue_indirect_dma source(%dma_start3A_67 : memref<65536x16xf32, #tpu.memory_space<hbm>>) target(%arg10 : memref<3200x16xf32, #tpu.memory_space<vmem>>) offsets(%arg6 : memref<3200xi32, #tpu.memory_space<vmem>>) semaphore(%arg12 : memref<!tpu.dma_semaphore, #tpu.memory_space<semaphore_mem>>)
    "tpu.region"() ({
      %run_scoped3A = tpu.sem_alloc : memref<!tpu.dma_semaphore, #tpu.memory_space<semaphore_mem>>
      %dma_start3A_81 = arith.constant 0 : i32
      %dma_start3A_82 = arith.constant 0 : i32
      %dma_start3A_83 = tpu.memref_slice %arg5[%dma_start3A_81, %dma_start3A_82] : memref<819200x16xf32, #tpu.memory_space<hbm>> -> memref<819200x16xf32, #tpu.memory_space<hbm>>
      tpu.enqueue_indirect_dma source(%arg11 : memref<3200x16xf32, #tpu.memory_space<vmem>>) target(%dma_start3A_83 : memref<819200x16xf32, #tpu.memory_space<hbm>>) offsets(%arg9 : memref<3200xi32, #tpu.memory_space<vmem>>) semaphore(%run_scoped3A : memref<!tpu.dma_semaphore, #tpu.memory_space<semaphore_mem>>)
      %dma_wait3A_84 = arith.constant 0 : i32
      %dma_wait3A_85 = arith.constant 0 : i32
      %dma_wait3A_86 = tpu.memref_slice %arg5[%dma_wait3A_84, %dma_wait3A_85] : memref<819200x16xf32, #tpu.memory_space<hbm>> -> memref<819200x16xf32, #tpu.memory_space<hbm>>
      tpu.wait_indirect_dma semaphore(%run_scoped3A : memref<!tpu.dma_semaphore, #tpu.memory_space<semaphore_mem>>) src(%arg11 : memref<3200x16xf32, #tpu.memory_space<vmem>>) dst(%dma_wait3A_86 : memref<819200x16xf32, #tpu.memory_space<hbm>>)
      tpu.yield
    }) : () -> ()
    %add3A_68 = arith.constant 22400 : i32
    %add3A_69 = arith.addi %mul3A_2, %add3A_68 : i32
    "tpu.region"() ({
      %run_scoped3A = tpu.sem_alloc : memref<!tpu.dma_semaphore, #tpu.memory_space<semaphore_mem>>
      %dma_start3A_81 = tpu.memref_slice %arg3[%add3A_69] : memref<819200xi32, #tpu.memory_space<hbm>> -> memref<3200xi32, #tpu.memory_space<hbm>>
      %dma_start3A_82 = tpu.memref_slice %arg3[%add3A_69] : memref<819200xi32, #tpu.memory_space<hbm>> -> memref<3200xi32, #tpu.memory_space<hbm>>
      tpu.enqueue_dma source(%dma_start3A_82 : memref<3200xi32, #tpu.memory_space<hbm>>) target(%arg7 : memref<3200xi32, #tpu.memory_space<vmem>>) target_semaphore(%run_scoped3A : memref<!tpu.dma_semaphore, #tpu.memory_space<semaphore_mem>>)
      %dma_wait3A_83 = tpu.memref_slice %arg3[%add3A_69] : memref<819200xi32, #tpu.memory_space<hbm>> -> memref<3200xi32, #tpu.memory_space<hbm>>
      %dma_wait3A_84 = tpu.memref_slice %arg3[%add3A_69] : memref<819200xi32, #tpu.memory_space<hbm>> -> memref<3200xi32, #tpu.memory_space<hbm>>
      tpu.wait_dma2 semaphore(%run_scoped3A : memref<!tpu.dma_semaphore, #tpu.memory_space<semaphore_mem>>) src(%dma_wait3A_84 : memref<3200xi32, #tpu.memory_space<hbm>>) dst(%arg7 : memref<3200xi32, #tpu.memory_space<vmem>>)
      tpu.yield
    }) : () -> ()
    %add3A_70 = arith.constant 22400 : i32
    %add3A_71 = arith.addi %mul3A_2, %add3A_70 : i32
    "tpu.region"() ({
      %run_scoped3A = tpu.sem_alloc : memref<!tpu.dma_semaphore, #tpu.memory_space<semaphore_mem>>
      %dma_start3A_81 = tpu.memref_slice %arg4[%add3A_71] : memref<819200xi32, #tpu.memory_space<hbm>> -> memref<3200xi32, #tpu.memory_space<hbm>>
      %dma_start3A_82 = tpu.memref_slice %arg4[%add3A_71] : memref<819200xi32, #tpu.memory_space<hbm>> -> memref<3200xi32, #tpu.memory_space<hbm>>
      tpu.enqueue_dma source(%dma_start3A_82 : memref<3200xi32, #tpu.memory_space<hbm>>) target(%arg9 : memref<3200xi32, #tpu.memory_space<vmem>>) target_semaphore(%run_scoped3A : memref<!tpu.dma_semaphore, #tpu.memory_space<semaphore_mem>>)
      %dma_wait3A_83 = tpu.memref_slice %arg4[%add3A_71] : memref<819200xi32, #tpu.memory_space<hbm>> -> memref<3200xi32, #tpu.memory_space<hbm>>
      %dma_wait3A_84 = tpu.memref_slice %arg4[%add3A_71] : memref<819200xi32, #tpu.memory_space<hbm>> -> memref<3200xi32, #tpu.memory_space<hbm>>
      tpu.wait_dma2 semaphore(%run_scoped3A : memref<!tpu.dma_semaphore, #tpu.memory_space<semaphore_mem>>) src(%dma_wait3A_84 : memref<3200xi32, #tpu.memory_space<hbm>>) dst(%arg9 : memref<3200xi32, #tpu.memory_space<vmem>>)
      tpu.yield
    }) : () -> ()
    %dma_wait3A_72 = arith.constant 0 : i32
    %dma_wait3A_73 = arith.constant 0 : i32
    %dma_wait3A_74 = tpu.memref_slice %arg2[%dma_wait3A_72, %dma_wait3A_73] : memref<65536x16xf32, #tpu.memory_space<hbm>> -> memref<65536x16xf32, #tpu.memory_space<hbm>>
    tpu.wait_indirect_dma semaphore(%arg12 : memref<!tpu.dma_semaphore, #tpu.memory_space<semaphore_mem>>) src(%dma_wait3A_74 : memref<65536x16xf32, #tpu.memory_space<hbm>>) dst(%arg10 : memref<3200x16xf32, #tpu.memory_space<vmem>>)
    %dma_start3A_75 = arith.constant 0 : i32
    %dma_start3A_76 = arith.constant 0 : i32
    %dma_start3A_77 = tpu.memref_slice %arg2[%dma_start3A_75, %dma_start3A_76] : memref<65536x16xf32, #tpu.memory_space<hbm>> -> memref<65536x16xf32, #tpu.memory_space<hbm>>
    tpu.enqueue_indirect_dma source(%dma_start3A_77 : memref<65536x16xf32, #tpu.memory_space<hbm>>) target(%arg11 : memref<3200x16xf32, #tpu.memory_space<vmem>>) offsets(%arg7 : memref<3200xi32, #tpu.memory_space<vmem>>) semaphore(%arg12 : memref<!tpu.dma_semaphore, #tpu.memory_space<semaphore_mem>>)
    "tpu.region"() ({
      %run_scoped3A = tpu.sem_alloc : memref<!tpu.dma_semaphore, #tpu.memory_space<semaphore_mem>>
      %dma_start3A_81 = arith.constant 0 : i32
      %dma_start3A_82 = arith.constant 0 : i32
      %dma_start3A_83 = tpu.memref_slice %arg5[%dma_start3A_81, %dma_start3A_82] : memref<819200x16xf32, #tpu.memory_space<hbm>> -> memref<819200x16xf32, #tpu.memory_space<hbm>>
      tpu.enqueue_indirect_dma source(%arg10 : memref<3200x16xf32, #tpu.memory_space<vmem>>) target(%dma_start3A_83 : memref<819200x16xf32, #tpu.memory_space<hbm>>) offsets(%arg8 : memref<3200xi32, #tpu.memory_space<vmem>>) semaphore(%run_scoped3A : memref<!tpu.dma_semaphore, #tpu.memory_space<semaphore_mem>>)
      %dma_wait3A_84 = arith.constant 0 : i32
      %dma_wait3A_85 = arith.constant 0 : i32
      %dma_wait3A_86 = tpu.memref_slice %arg5[%dma_wait3A_84, %dma_wait3A_85] : memref<819200x16xf32, #tpu.memory_space<hbm>> -> memref<819200x16xf32, #tpu.memory_space<hbm>>
      tpu.wait_indirect_dma semaphore(%run_scoped3A : memref<!tpu.dma_semaphore, #tpu.memory_space<semaphore_mem>>) src(%arg10 : memref<3200x16xf32, #tpu.memory_space<vmem>>) dst(%dma_wait3A_86 : memref<819200x16xf32, #tpu.memory_space<hbm>>)
      tpu.yield
    }) : () -> ()
    %dma_wait3A_78 = arith.constant 0 : i32
    %dma_wait3A_79 = arith.constant 0 : i32
    %dma_wait3A_80 = tpu.memref_slice %arg2[%dma_wait3A_78, %dma_wait3A_79] : memref<65536x16xf32, #tpu.memory_space<hbm>> -> memref<65536x16xf32, #tpu.memory_space<hbm>>
    tpu.wait_indirect_dma semaphore(%arg12 : memref<!tpu.dma_semaphore, #tpu.memory_space<semaphore_mem>>) src(%dma_wait3A_80 : memref<65536x16xf32, #tpu.memory_space<hbm>>) dst(%arg11 : memref<3200x16xf32, #tpu.memory_space<vmem>>)
    "tpu.region"() ({
      %run_scoped3A = tpu.sem_alloc : memref<!tpu.dma_semaphore, #tpu.memory_space<semaphore_mem>>
      %dma_start3A_81 = arith.constant 0 : i32
      %dma_start3A_82 = arith.constant 0 : i32
      %dma_start3A_83 = tpu.memref_slice %arg5[%dma_start3A_81, %dma_start3A_82] : memref<819200x16xf32, #tpu.memory_space<hbm>> -> memref<819200x16xf32, #tpu.memory_space<hbm>>
      tpu.enqueue_indirect_dma source(%arg11 : memref<3200x16xf32, #tpu.memory_space<vmem>>) target(%dma_start3A_83 : memref<819200x16xf32, #tpu.memory_space<hbm>>) offsets(%arg9 : memref<3200xi32, #tpu.memory_space<vmem>>) semaphore(%run_scoped3A : memref<!tpu.dma_semaphore, #tpu.memory_space<semaphore_mem>>)
      %dma_wait3A_84 = arith.constant 0 : i32
      %dma_wait3A_85 = arith.constant 0 : i32
      %dma_wait3A_86 = tpu.memref_slice %arg5[%dma_wait3A_84, %dma_wait3A_85] : memref<819200x16xf32, #tpu.memory_space<hbm>> -> memref<819200x16xf32, #tpu.memory_space<hbm>>
      tpu.wait_indirect_dma semaphore(%run_scoped3A : memref<!tpu.dma_semaphore, #tpu.memory_space<semaphore_mem>>) src(%arg11 : memref<3200x16xf32, #tpu.memory_space<vmem>>) dst(%dma_wait3A_86 : memref<819200x16xf32, #tpu.memory_space<hbm>>)
      tpu.yield
    }) : () -> ()
    return
  }
}

module attributes {stable_mosaic.version = 14 : i64} {
  func.func @_dense_body(%arg0: i32, %arg1: memref<10x1x4096xf32, #tpu.memory_space<vmem>>, %arg2: memref<10x1x4096xf32, #tpu.memory_space<vmem>>, %arg3: memref<10x16x4096xf32, #tpu.memory_space<vmem>>, %arg4: memref<5120x128xf32, #tpu.memory_space<vmem>>, %arg5: memref<128x256xf32, #tpu.memory_space<vmem>>, %arg6: memref<32x16xf32, #tpu.memory_space<vmem>>, %arg7: memref<32x128xf32, #tpu.memory_space<vmem>>, %arg8: memref<10x32x4096xf32, #tpu.memory_space<vmem>>) attributes {dimension_semantics = [#tpu.dimension_semantics<arbitrary>], iteration_bounds = array<i64: 20>, scalar_prefetch = 0 : i64, scratch_operands = 0 : i64, tpu.core_type = #tpu.core_type<tc>, window_params = [{transform_indices = @transform_0, window_bounds = array<i64: 10, 1, 4096>}, {transform_indices = @transform_1, window_bounds = array<i64: 10, 1, 4096>}, {transform_indices = @transform_2, window_bounds = array<i64: 10, 16, 4096>}, {transform_indices = @transform_3, window_bounds = array<i64: 5120, 128>}, {pipeline_mode = #tpu.pipeline_mode<synchronous>, transform_indices = @transform_4, window_bounds = array<i64: 128, 256>}, {pipeline_mode = #tpu.pipeline_mode<synchronous>, transform_indices = @transform_5, window_bounds = array<i64: 32, 16>}, {pipeline_mode = #tpu.pipeline_mode<synchronous>, transform_indices = @transform_6, window_bounds = array<i64: 32, 128>}, {transform_indices = @transform_7, window_bounds = array<i64: 10, 32, 4096>}]} {
    %get3A = arith.constant 0 : index
    %get3A_0 = arith.constant 0 : index
    %get3A_1 = arith.constant 0 : index
    %get3A_2 = vector.load %arg3[%get3A, %get3A_0, %get3A_1] : memref<10x16x4096xf32, #tpu.memory_space<vmem>>, vector<1x16x4096xf32>
    %get3A_3 = vector.shape_cast %get3A_2 : vector<1x16x4096xf32> to vector<16x4096xf32>
    %get3A_4 = arith.constant 0 : index
    %get3A_5 = arith.constant 0 : index
    %get3A_6 = vector.load %arg6[%get3A_4, %get3A_5] : memref<32x16xf32, #tpu.memory_space<vmem>>, vector<32x16xf32>
    %dot_general3A = arith.constant dense<0.000000e+00> : vector<32x4096xf32>
    %dot_general3A_7 = tpu.matmul %get3A_6, %get3A_3, %dot_general3A {dimension_numbers = #tpu.dot_dimension_numbers<[1], [0], [0], [1], [0, 0, 1, 1], [], []>, transpose_lhs_hint = false} : vector<32x16xf32>, vector<16x4096xf32>, vector<32x4096xf32> -> vector<32x4096xf32>
    %get3A_8 = arith.constant 0 : index
    %get3A_9 = arith.constant 0 : index
    %get3A_10 = vector.load %arg4[%get3A_8, %get3A_9] : memref<5120x128xf32, #tpu.memory_space<vmem>>, vector<512x128xf32>
    %get3A_11 = arith.constant 0 : index
    %get3A_12 = arith.constant 0 : index
    %get3A_13 = vector.load %arg5[%get3A_11, %get3A_12] : memref<128x256xf32, #tpu.memory_space<vmem>>, vector<128x256xf32>
    %dot_general3A_14 = arith.constant dense<0.000000e+00> : vector<512x256xf32>
    %dot_general3A_15 = tpu.matmul %get3A_10, %get3A_13, %dot_general3A_14 {dimension_numbers = #tpu.dot_dimension_numbers<[1], [0], [0], [1], [0, 0, 1, 1], [], []>, transpose_lhs_hint = false} : vector<512x128xf32>, vector<128x256xf32>, vector<512x256xf32> -> vector<512x256xf32>
    %transpose3A = tpu.transpose %dot_general3A_15, [1, 0] : vector<512x256xf32> -> vector<256x512xf32>
    %slice3A = vector.extract_strided_slice %transpose3A {offsets = [0, 0], sizes = [32, 512], strides = [1, 1]} : vector<256x512xf32> to vector<32x512xf32>
    %slice3A_16 = vector.extract_strided_slice %transpose3A {offsets = [32, 0], sizes = [32, 512], strides = [1, 1]} : vector<256x512xf32> to vector<32x512xf32>
    %slice3A_17 = vector.extract_strided_slice %transpose3A {offsets = [64, 0], sizes = [32, 512], strides = [1, 1]} : vector<256x512xf32> to vector<32x512xf32>
    %slice3A_18 = vector.extract_strided_slice %transpose3A {offsets = [96, 0], sizes = [32, 512], strides = [1, 1]} : vector<256x512xf32> to vector<32x512xf32>
    %slice3A_19 = vector.extract_strided_slice %transpose3A {offsets = [128, 0], sizes = [32, 512], strides = [1, 1]} : vector<256x512xf32> to vector<32x512xf32>
    %slice3A_20 = vector.extract_strided_slice %transpose3A {offsets = [160, 0], sizes = [32, 512], strides = [1, 1]} : vector<256x512xf32> to vector<32x512xf32>
    %slice3A_21 = vector.extract_strided_slice %transpose3A {offsets = [192, 0], sizes = [32, 512], strides = [1, 1]} : vector<256x512xf32> to vector<32x512xf32>
    %slice3A_22 = vector.extract_strided_slice %transpose3A {offsets = [224, 0], sizes = [32, 512], strides = [1, 1]} : vector<256x512xf32> to vector<32x512xf32>
    %concatenate3A = tpu.concatenate %slice3A, %slice3A_16, %slice3A_17, %slice3A_18, %slice3A_19, %slice3A_20, %slice3A_21, %slice3A_22 in 1 : vector<32x512xf32>, vector<32x512xf32>, vector<32x512xf32>, vector<32x512xf32>, vector<32x512xf32>, vector<32x512xf32>, vector<32x512xf32>, vector<32x512xf32> -> vector<32x4096xf32>
    %add3A = arith.addf %dot_general3A_7, %concatenate3A : vector<32x4096xf32>
    %get3A_23 = arith.constant 0 : index
    %get3A_24 = arith.constant 0 : index
    %get3A_25 = vector.load %arg7[%get3A_23, %get3A_24] : memref<32x128xf32, #tpu.memory_space<vmem>>, vector<32x1xf32>
    %get3A_26 = arith.constant 0 : index
    %get3A_27 = arith.constant 0 : index
    %get3A_28 = arith.constant 0 : index
    %get3A_29 = vector.load %arg1[%get3A_26, %get3A_27, %get3A_28] : memref<10x1x4096xf32, #tpu.memory_space<vmem>>, vector<1x1x4096xf32>
    %get3A_30 = vector.shape_cast %get3A_29 : vector<1x1x4096xf32> to vector<1x4096xf32>
    %mul3A = vector.broadcast %get3A_25 : vector<32x1xf32> to vector<32x4096xf32>
    %mul3A_31 = vector.broadcast %get3A_30 : vector<1x4096xf32> to vector<32x4096xf32>
    %mul3A_32 = arith.mulf %mul3A, %mul3A_31 : vector<32x4096xf32>
    %add3A_33 = arith.addf %add3A, %mul3A_32 : vector<32x4096xf32>
    %get3A_34 = arith.constant 0 : index
    %get3A_35 = arith.constant 1 : index
    %get3A_36 = vector.load %arg7[%get3A_34, %get3A_35] : memref<32x128xf32, #tpu.memory_space<vmem>>, vector<32x1xf32>
    %get3A_37 = arith.constant 0 : index
    %get3A_38 = arith.constant 0 : index
    %get3A_39 = arith.constant 0 : index
    %get3A_40 = vector.load %arg2[%get3A_37, %get3A_38, %get3A_39] : memref<10x1x4096xf32, #tpu.memory_space<vmem>>, vector<1x1x4096xf32>
    %get3A_41 = vector.shape_cast %get3A_40 : vector<1x1x4096xf32> to vector<1x4096xf32>
    %mul3A_42 = vector.broadcast %get3A_36 : vector<32x1xf32> to vector<32x4096xf32>
    %mul3A_43 = vector.broadcast %get3A_41 : vector<1x4096xf32> to vector<32x4096xf32>
    %mul3A_44 = arith.mulf %mul3A_42, %mul3A_43 : vector<32x4096xf32>
    %add3A_45 = arith.addf %add3A_33, %mul3A_44 : vector<32x4096xf32>
    %get3A_46 = arith.constant 0 : index
    %get3A_47 = arith.constant 2 : index
    %get3A_48 = vector.load %arg7[%get3A_46, %get3A_47] : memref<32x128xf32, #tpu.memory_space<vmem>>, vector<32x1xf32>
    %add3A_49 = vector.broadcast %get3A_48 : vector<32x1xf32> to vector<32x4096xf32>
    %add3A_50 = arith.addf %add3A_45, %add3A_49 : vector<32x4096xf32>
    %tanh3A = math.tanh %add3A_50 : vector<32x4096xf32>
    %swap3A = arith.constant 0 : index
    %swap3A_51 = arith.constant 0 : index
    %swap3A_52 = arith.constant 0 : index
    %swap3A_53 = vector.load %arg8[%swap3A, %swap3A_51, %swap3A_52] : memref<10x32x4096xf32, #tpu.memory_space<vmem>>, vector<1x32x4096xf32>
    %swap3A_54 = vector.shape_cast %swap3A_53 : vector<1x32x4096xf32> to vector<32x4096xf32>
    %swap3A_55 = vector.shape_cast %tanh3A : vector<32x4096xf32> to vector<1x32x4096xf32>
    tpu.vector_store %arg8[%swap3A, %swap3A_51, %swap3A_52], %swap3A_55 {strides = array<i32>} : memref<10x32x4096xf32, #tpu.memory_space<vmem>>, vector<1x32x4096xf32>,
    %get3A_56 = arith.constant 1 : index
    %get3A_57 = arith.constant 0 : index
    %get3A_58 = arith.constant 0 : index
    %get3A_59 = vector.load %arg3[%get3A_56, %get3A_57, %get3A_58] : memref<10x16x4096xf32, #tpu.memory_space<vmem>>, vector<1x16x4096xf32>
    %get3A_60 = vector.shape_cast %get3A_59 : vector<1x16x4096xf32> to vector<16x4096xf32>
    %get3A_61 = arith.constant 0 : index
    %get3A_62 = arith.constant 0 : index
    %get3A_63 = vector.load %arg6[%get3A_61, %get3A_62] : memref<32x16xf32, #tpu.memory_space<vmem>>, vector<32x16xf32>
    %dot_general3A_64 = arith.constant dense<0.000000e+00> : vector<32x4096xf32>
    %dot_general3A_65 = tpu.matmul %get3A_63, %get3A_60, %dot_general3A_64 {dimension_numbers = #tpu.dot_dimension_numbers<[1], [0], [0], [1], [0, 0, 1, 1], [], []>, transpose_lhs_hint = false} : vector<32x16xf32>, vector<16x4096xf32>, vector<32x4096xf32> -> vector<32x4096xf32>
    %get3A_66 = arith.constant 512 : index
    %get3A_67 = arith.constant 0 : index
    %get3A_68 = vector.load %arg4[%get3A_66, %get3A_67] : memref<5120x128xf32, #tpu.memory_space<vmem>>, vector<512x128xf32>
    %get3A_69 = arith.constant 0 : index
    %get3A_70 = arith.constant 0 : index
    %get3A_71 = vector.load %arg5[%get3A_69, %get3A_70] : memref<128x256xf32, #tpu.memory_space<vmem>>, vector<128x256xf32>
    %dot_general3A_72 = arith.constant dense<0.000000e+00> : vector<512x256xf32>
    %dot_general3A_73 = tpu.matmul %get3A_68, %get3A_71, %dot_general3A_72 {dimension_numbers = #tpu.dot_dimension_numbers<[1], [0], [0], [1], [0, 0, 1, 1], [], []>, transpose_lhs_hint = false} : vector<512x128xf32>, vector<128x256xf32>, vector<512x256xf32> -> vector<512x256xf32>
    %transpose3A_74 = tpu.transpose %dot_general3A_73, [1, 0] : vector<512x256xf32> -> vector<256x512xf32>
    %slice3A_75 = vector.extract_strided_slice %transpose3A_74 {offsets = [0, 0], sizes = [32, 512], strides = [1, 1]} : vector<256x512xf32> to vector<32x512xf32>
    %slice3A_76 = vector.extract_strided_slice %transpose3A_74 {offsets = [32, 0], sizes = [32, 512], strides = [1, 1]} : vector<256x512xf32> to vector<32x512xf32>
    %slice3A_77 = vector.extract_strided_slice %transpose3A_74 {offsets = [64, 0], sizes = [32, 512], strides = [1, 1]} : vector<256x512xf32> to vector<32x512xf32>
    %slice3A_78 = vector.extract_strided_slice %transpose3A_74 {offsets = [96, 0], sizes = [32, 512], strides = [1, 1]} : vector<256x512xf32> to vector<32x512xf32>
    %slice3A_79 = vector.extract_strided_slice %transpose3A_74 {offsets = [128, 0], sizes = [32, 512], strides = [1, 1]} : vector<256x512xf32> to vector<32x512xf32>
    %slice3A_80 = vector.extract_strided_slice %transpose3A_74 {offsets = [160, 0], sizes = [32, 512], strides = [1, 1]} : vector<256x512xf32> to vector<32x512xf32>
    %slice3A_81 = vector.extract_strided_slice %transpose3A_74 {offsets = [192, 0], sizes = [32, 512], strides = [1, 1]} : vector<256x512xf32> to vector<32x512xf32>
    %slice3A_82 = vector.extract_strided_slice %transpose3A_74 {offsets = [224, 0], sizes = [32, 512], strides = [1, 1]} : vector<256x512xf32> to vector<32x512xf32>
    %concatenate3A_83 = tpu.concatenate %slice3A_75, %slice3A_76, %slice3A_77, %slice3A_78, %slice3A_79, %slice3A_80, %slice3A_81, %slice3A_82 in 1 : vector<32x512xf32>, vector<32x512xf32>, vector<32x512xf32>, vector<32x512xf32>, vector<32x512xf32>, vector<32x512xf32>, vector<32x512xf32>, vector<32x512xf32> -> vector<32x4096xf32>
    %add3A_84 = arith.addf %dot_general3A_65, %concatenate3A_83 : vector<32x4096xf32>
    %get3A_85 = arith.constant 0 : index
    %get3A_86 = arith.constant 0 : index
    %get3A_87 = vector.load %arg7[%get3A_85, %get3A_86] : memref<32x128xf32, #tpu.memory_space<vmem>>, vector<32x1xf32>
    %get3A_88 = arith.constant 1 : index
    %get3A_89 = arith.constant 0 : index
    %get3A_90 = arith.constant 0 : index
    %get3A_91 = vector.load %arg1[%get3A_88, %get3A_89, %get3A_90] : memref<10x1x4096xf32, #tpu.memory_space<vmem>>, vector<1x1x4096xf32>
    %get3A_92 = vector.shape_cast %get3A_91 : vector<1x1x4096xf32> to vector<1x4096xf32>
    %mul3A_93 = vector.broadcast %get3A_87 : vector<32x1xf32> to vector<32x4096xf32>
    %mul3A_94 = vector.broadcast %get3A_92 : vector<1x4096xf32> to vector<32x4096xf32>
    %mul3A_95 = arith.mulf %mul3A_93, %mul3A_94 : vector<32x4096xf32>
    %add3A_96 = arith.addf %add3A_84, %mul3A_95 : vector<32x4096xf32>
    %get3A_97 = arith.constant 0 : index
    %get3A_98 = arith.constant 1 : index
    %get3A_99 = vector.load %arg7[%get3A_97, %get3A_98] : memref<32x128xf32, #tpu.memory_space<vmem>>, vector<32x1xf32>
    %get3A_100 = arith.constant 1 : index
    %get3A_101 = arith.constant 0 : index
    %get3A_102 = arith.constant 0 : index
    %get3A_103 = vector.load %arg2[%get3A_100, %get3A_101, %get3A_102] : memref<10x1x4096xf32, #tpu.memory_space<vmem>>, vector<1x1x4096xf32>
    %get3A_104 = vector.shape_cast %get3A_103 : vector<1x1x4096xf32> to vector<1x4096xf32>
    %mul3A_105 = vector.broadcast %get3A_99 : vector<32x1xf32> to vector<32x4096xf32>
    %mul3A_106 = vector.broadcast %get3A_104 : vector<1x4096xf32> to vector<32x4096xf32>
    %mul3A_107 = arith.mulf %mul3A_105, %mul3A_106 : vector<32x4096xf32>
    %add3A_108 = arith.addf %add3A_96, %mul3A_107 : vector<32x4096xf32>
    %get3A_109 = arith.constant 0 : index
    %get3A_110 = arith.constant 2 : index
    %get3A_111 = vector.load %arg7[%get3A_109, %get3A_110] : memref<32x128xf32, #tpu.memory_space<vmem>>, vector<32x1xf32>
    %add3A_112 = vector.broadcast %get3A_111 : vector<32x1xf32> to vector<32x4096xf32>
    %add3A_113 = arith.addf %add3A_108, %add3A_112 : vector<32x4096xf32>
    %tanh3A_114 = math.tanh %add3A_113 : vector<32x4096xf32>
    %swap3A_115 = arith.constant 1 : index
    %swap3A_116 = arith.constant 0 : index
    %swap3A_117 = arith.constant 0 : index
    %swap3A_118 = vector.load %arg8[%swap3A_115, %swap3A_116, %swap3A_117] : memref<10x32x4096xf32, #tpu.memory_space<vmem>>, vector<1x32x4096xf32>
    %swap3A_119 = vector.shape_cast %swap3A_118 : vector<1x32x4096xf32> to vector<32x4096xf32>
    %swap3A_120 = vector.shape_cast %tanh3A_114 : vector<32x4096xf32> to vector<1x32x4096xf32>
    tpu.vector_store %arg8[%swap3A_115, %swap3A_116, %swap3A_117], %swap3A_120 {strides = array<i32>} : memref<10x32x4096xf32, #tpu.memory_space<vmem>>, vector<1x32x4096xf32>,
    %get3A_121 = arith.constant 2 : index
    %get3A_122 = arith.constant 0 : index
    %get3A_123 = arith.constant 0 : index
    %get3A_124 = vector.load %arg3[%get3A_121, %get3A_122, %get3A_123] : memref<10x16x4096xf32, #tpu.memory_space<vmem>>, vector<1x16x4096xf32>
    %get3A_125 = vector.shape_cast %get3A_124 : vector<1x16x4096xf32> to vector<16x4096xf32>
    %get3A_126 = arith.constant 0 : index
    %get3A_127 = arith.constant 0 : index
    %get3A_128 = vector.load %arg6[%get3A_126, %get3A_127] : memref<32x16xf32, #tpu.memory_space<vmem>>, vector<32x16xf32>
    %dot_general3A_129 = arith.constant dense<0.000000e+00> : vector<32x4096xf32>
    %dot_general3A_130 = tpu.matmul %get3A_128, %get3A_125, %dot_general3A_129 {dimension_numbers = #tpu.dot_dimension_numbers<[1], [0], [0], [1], [0, 0, 1, 1], [], []>, transpose_lhs_hint = false} : vector<32x16xf32>, vector<16x4096xf32>, vector<32x4096xf32> -> vector<32x4096xf32>
    %get3A_131 = arith.constant 1024 : index
    %get3A_132 = arith.constant 0 : index
    %get3A_133 = vector.load %arg4[%get3A_131, %get3A_132] : memref<5120x128xf32, #tpu.memory_space<vmem>>, vector<512x128xf32>
    %get3A_134 = arith.constant 0 : index
    %get3A_135 = arith.constant 0 : index
    %get3A_136 = vector.load %arg5[%get3A_134, %get3A_135] : memref<128x256xf32, #tpu.memory_space<vmem>>, vector<128x256xf32>
    %dot_general3A_137 = arith.constant dense<0.000000e+00> : vector<512x256xf32>
    %dot_general3A_138 = tpu.matmul %get3A_133, %get3A_136, %dot_general3A_137 {dimension_numbers = #tpu.dot_dimension_numbers<[1], [0], [0], [1], [0, 0, 1, 1], [], []>, transpose_lhs_hint = false} : vector<512x128xf32>, vector<128x256xf32>, vector<512x256xf32> -> vector<512x256xf32>
    %transpose3A_139 = tpu.transpose %dot_general3A_138, [1, 0] : vector<512x256xf32> -> vector<256x512xf32>
    %slice3A_140 = vector.extract_strided_slice %transpose3A_139 {offsets = [0, 0], sizes = [32, 512], strides = [1, 1]} : vector<256x512xf32> to vector<32x512xf32>
    %slice3A_141 = vector.extract_strided_slice %transpose3A_139 {offsets = [32, 0], sizes = [32, 512], strides = [1, 1]} : vector<256x512xf32> to vector<32x512xf32>
    %slice3A_142 = vector.extract_strided_slice %transpose3A_139 {offsets = [64, 0], sizes = [32, 512], strides = [1, 1]} : vector<256x512xf32> to vector<32x512xf32>
    %slice3A_143 = vector.extract_strided_slice %transpose3A_139 {offsets = [96, 0], sizes = [32, 512], strides = [1, 1]} : vector<256x512xf32> to vector<32x512xf32>
    %slice3A_144 = vector.extract_strided_slice %transpose3A_139 {offsets = [128, 0], sizes = [32, 512], strides = [1, 1]} : vector<256x512xf32> to vector<32x512xf32>
    %slice3A_145 = vector.extract_strided_slice %transpose3A_139 {offsets = [160, 0], sizes = [32, 512], strides = [1, 1]} : vector<256x512xf32> to vector<32x512xf32>
    %slice3A_146 = vector.extract_strided_slice %transpose3A_139 {offsets = [192, 0], sizes = [32, 512], strides = [1, 1]} : vector<256x512xf32> to vector<32x512xf32>
    %slice3A_147 = vector.extract_strided_slice %transpose3A_139 {offsets = [224, 0], sizes = [32, 512], strides = [1, 1]} : vector<256x512xf32> to vector<32x512xf32>
    %concatenate3A_148 = tpu.concatenate %slice3A_140, %slice3A_141, %slice3A_142, %slice3A_143, %slice3A_144, %slice3A_145, %slice3A_146, %slice3A_147 in 1 : vector<32x512xf32>, vector<32x512xf32>, vector<32x512xf32>, vector<32x512xf32>, vector<32x512xf32>, vector<32x512xf32>, vector<32x512xf32>, vector<32x512xf32> -> vector<32x4096xf32>
    %add3A_149 = arith.addf %dot_general3A_130, %concatenate3A_148 : vector<32x4096xf32>
    %get3A_150 = arith.constant 0 : index
    %get3A_151 = arith.constant 0 : index
    %get3A_152 = vector.load %arg7[%get3A_150, %get3A_151] : memref<32x128xf32, #tpu.memory_space<vmem>>, vector<32x1xf32>
    %get3A_153 = arith.constant 2 : index
    %get3A_154 = arith.constant 0 : index
    %get3A_155 = arith.constant 0 : index
    %get3A_156 = vector.load %arg1[%get3A_153, %get3A_154, %get3A_155] : memref<10x1x4096xf32, #tpu.memory_space<vmem>>, vector<1x1x4096xf32>
    %get3A_157 = vector.shape_cast %get3A_156 : vector<1x1x4096xf32> to vector<1x4096xf32>
    %mul3A_158 = vector.broadcast %get3A_152 : vector<32x1xf32> to vector<32x4096xf32>
    %mul3A_159 = vector.broadcast %get3A_157 : vector<1x4096xf32> to vector<32x4096xf32>
    %mul3A_160 = arith.mulf %mul3A_158, %mul3A_159 : vector<32x4096xf32>
    %add3A_161 = arith.addf %add3A_149, %mul3A_160 : vector<32x4096xf32>
    %get3A_162 = arith.constant 0 : index
    %get3A_163 = arith.constant 1 : index
    %get3A_164 = vector.load %arg7[%get3A_162, %get3A_163] : memref<32x128xf32, #tpu.memory_space<vmem>>, vector<32x1xf32>
    %get3A_165 = arith.constant 2 : index
    %get3A_166 = arith.constant 0 : index
    %get3A_167 = arith.constant 0 : index
    %get3A_168 = vector.load %arg2[%get3A_165, %get3A_166, %get3A_167] : memref<10x1x4096xf32, #tpu.memory_space<vmem>>, vector<1x1x4096xf32>
    %get3A_169 = vector.shape_cast %get3A_168 : vector<1x1x4096xf32> to vector<1x4096xf32>
    %mul3A_170 = vector.broadcast %get3A_164 : vector<32x1xf32> to vector<32x4096xf32>
    %mul3A_171 = vector.broadcast %get3A_169 : vector<1x4096xf32> to vector<32x4096xf32>
    %mul3A_172 = arith.mulf %mul3A_170, %mul3A_171 : vector<32x4096xf32>
    %add3A_173 = arith.addf %add3A_161, %mul3A_172 : vector<32x4096xf32>
    %get3A_174 = arith.constant 0 : index
    %get3A_175 = arith.constant 2 : index
    %get3A_176 = vector.load %arg7[%get3A_174, %get3A_175] : memref<32x128xf32, #tpu.memory_space<vmem>>, vector<32x1xf32>
    %add3A_177 = vector.broadcast %get3A_176 : vector<32x1xf32> to vector<32x4096xf32>
    %add3A_178 = arith.addf %add3A_173, %add3A_177 : vector<32x4096xf32>
    %tanh3A_179 = math.tanh %add3A_178 : vector<32x4096xf32>
    %swap3A_180 = arith.constant 2 : index
    %swap3A_181 = arith.constant 0 : index
    %swap3A_182 = arith.constant 0 : index
    %swap3A_183 = vector.load %arg8[%swap3A_180, %swap3A_181, %swap3A_182] : memref<10x32x4096xf32, #tpu.memory_space<vmem>>, vector<1x32x4096xf32>
    %swap3A_184 = vector.shape_cast %swap3A_183 : vector<1x32x4096xf32> to vector<32x4096xf32>
    %swap3A_185 = vector.shape_cast %tanh3A_179 : vector<32x4096xf32> to vector<1x32x4096xf32>
    tpu.vector_store %arg8[%swap3A_180, %swap3A_181, %swap3A_182], %swap3A_185 {strides = array<i32>} : memref<10x32x4096xf32, #tpu.memory_space<vmem>>, vector<1x32x4096xf32>,
    %get3A_186 = arith.constant 3 : index
    %get3A_187 = arith.constant 0 : index
    %get3A_188 = arith.constant 0 : index
    %get3A_189 = vector.load %arg3[%get3A_186, %get3A_187, %get3A_188] : memref<10x16x4096xf32, #tpu.memory_space<vmem>>, vector<1x16x4096xf32>
    %get3A_190 = vector.shape_cast %get3A_189 : vector<1x16x4096xf32> to vector<16x4096xf32>
    %get3A_191 = arith.constant 0 : index
    %get3A_192 = arith.constant 0 : index
    %get3A_193 = vector.load %arg6[%get3A_191, %get3A_192] : memref<32x16xf32, #tpu.memory_space<vmem>>, vector<32x16xf32>
    %dot_general3A_194 = arith.constant dense<0.000000e+00> : vector<32x4096xf32>
    %dot_general3A_195 = tpu.matmul %get3A_193, %get3A_190, %dot_general3A_194 {dimension_numbers = #tpu.dot_dimension_numbers<[1], [0], [0], [1], [0, 0, 1, 1], [], []>, transpose_lhs_hint = false} : vector<32x16xf32>, vector<16x4096xf32>, vector<32x4096xf32> -> vector<32x4096xf32>
    %get3A_196 = arith.constant 1536 : index
    %get3A_197 = arith.constant 0 : index
    %get3A_198 = vector.load %arg4[%get3A_196, %get3A_197] : memref<5120x128xf32, #tpu.memory_space<vmem>>, vector<512x128xf32>
    %get3A_199 = arith.constant 0 : index
    %get3A_200 = arith.constant 0 : index
    %get3A_201 = vector.load %arg5[%get3A_199, %get3A_200] : memref<128x256xf32, #tpu.memory_space<vmem>>, vector<128x256xf32>
    %dot_general3A_202 = arith.constant dense<0.000000e+00> : vector<512x256xf32>
    %dot_general3A_203 = tpu.matmul %get3A_198, %get3A_201, %dot_general3A_202 {dimension_numbers = #tpu.dot_dimension_numbers<[1], [0], [0], [1], [0, 0, 1, 1], [], []>, transpose_lhs_hint = false} : vector<512x128xf32>, vector<128x256xf32>, vector<512x256xf32> -> vector<512x256xf32>
    %transpose3A_204 = tpu.transpose %dot_general3A_203, [1, 0] : vector<512x256xf32> -> vector<256x512xf32>
    %slice3A_205 = vector.extract_strided_slice %transpose3A_204 {offsets = [0, 0], sizes = [32, 512], strides = [1, 1]} : vector<256x512xf32> to vector<32x512xf32>
    %slice3A_206 = vector.extract_strided_slice %transpose3A_204 {offsets = [32, 0], sizes = [32, 512], strides = [1, 1]} : vector<256x512xf32> to vector<32x512xf32>
    %slice3A_207 = vector.extract_strided_slice %transpose3A_204 {offsets = [64, 0], sizes = [32, 512], strides = [1, 1]} : vector<256x512xf32> to vector<32x512xf32>
    %slice3A_208 = vector.extract_strided_slice %transpose3A_204 {offsets = [96, 0], sizes = [32, 512], strides = [1, 1]} : vector<256x512xf32> to vector<32x512xf32>
    %slice3A_209 = vector.extract_strided_slice %transpose3A_204 {offsets = [128, 0], sizes = [32, 512], strides = [1, 1]} : vector<256x512xf32> to vector<32x512xf32>
    %slice3A_210 = vector.extract_strided_slice %transpose3A_204 {offsets = [160, 0], sizes = [32, 512], strides = [1, 1]} : vector<256x512xf32> to vector<32x512xf32>
    %slice3A_211 = vector.extract_strided_slice %transpose3A_204 {offsets = [192, 0], sizes = [32, 512], strides = [1, 1]} : vector<256x512xf32> to vector<32x512xf32>
    %slice3A_212 = vector.extract_strided_slice %transpose3A_204 {offsets = [224, 0], sizes = [32, 512], strides = [1, 1]} : vector<256x512xf32> to vector<32x512xf32>
    %concatenate3A_213 = tpu.concatenate %slice3A_205, %slice3A_206, %slice3A_207, %slice3A_208, %slice3A_209, %slice3A_210, %slice3A_211, %slice3A_212 in 1 : vector<32x512xf32>, vector<32x512xf32>, vector<32x512xf32>, vector<32x512xf32>, vector<32x512xf32>, vector<32x512xf32>, vector<32x512xf32>, vector<32x512xf32> -> vector<32x4096xf32>
    %add3A_214 = arith.addf %dot_general3A_195, %concatenate3A_213 : vector<32x4096xf32>
    %get3A_215 = arith.constant 0 : index
    %get3A_216 = arith.constant 0 : index
    %get3A_217 = vector.load %arg7[%get3A_215, %get3A_216] : memref<32x128xf32, #tpu.memory_space<vmem>>, vector<32x1xf32>
    %get3A_218 = arith.constant 3 : index
    %get3A_219 = arith.constant 0 : index
    %get3A_220 = arith.constant 0 : index
    %get3A_221 = vector.load %arg1[%get3A_218, %get3A_219, %get3A_220] : memref<10x1x4096xf32, #tpu.memory_space<vmem>>, vector<1x1x4096xf32>
    %get3A_222 = vector.shape_cast %get3A_221 : vector<1x1x4096xf32> to vector<1x4096xf32>
    %mul3A_223 = vector.broadcast %get3A_217 : vector<32x1xf32> to vector<32x4096xf32>
    %mul3A_224 = vector.broadcast %get3A_222 : vector<1x4096xf32> to vector<32x4096xf32>
    %mul3A_225 = arith.mulf %mul3A_223, %mul3A_224 : vector<32x4096xf32>
    %add3A_226 = arith.addf %add3A_214, %mul3A_225 : vector<32x4096xf32>
    %get3A_227 = arith.constant 0 : index
    %get3A_228 = arith.constant 1 : index
    %get3A_229 = vector.load %arg7[%get3A_227, %get3A_228] : memref<32x128xf32, #tpu.memory_space<vmem>>, vector<32x1xf32>
    %get3A_230 = arith.constant 3 : index
    %get3A_231 = arith.constant 0 : index
    %get3A_232 = arith.constant 0 : index
    %get3A_233 = vector.load %arg2[%get3A_230, %get3A_231, %get3A_232] : memref<10x1x4096xf32, #tpu.memory_space<vmem>>, vector<1x1x4096xf32>
    %get3A_234 = vector.shape_cast %get3A_233 : vector<1x1x4096xf32> to vector<1x4096xf32>
    %mul3A_235 = vector.broadcast %get3A_229 : vector<32x1xf32> to vector<32x4096xf32>
    %mul3A_236 = vector.broadcast %get3A_234 : vector<1x4096xf32> to vector<32x4096xf32>
    %mul3A_237 = arith.mulf %mul3A_235, %mul3A_236 : vector<32x4096xf32>
    %add3A_238 = arith.addf %add3A_226, %mul3A_237 : vector<32x4096xf32>
    %get3A_239 = arith.constant 0 : index
    %get3A_240 = arith.constant 2 : index
    %get3A_241 = vector.load %arg7[%get3A_239, %get3A_240] : memref<32x128xf32, #tpu.memory_space<vmem>>, vector<32x1xf32>
    %add3A_242 = vector.broadcast %get3A_241 : vector<32x1xf32> to vector<32x4096xf32>
    %add3A_243 = arith.addf %add3A_238, %add3A_242 : vector<32x4096xf32>
    %tanh3A_244 = math.tanh %add3A_243 : vector<32x4096xf32>
    %swap3A_245 = arith.constant 3 : index
    %swap3A_246 = arith.constant 0 : index
    %swap3A_247 = arith.constant 0 : index
    %swap3A_248 = vector.load %arg8[%swap3A_245, %swap3A_246, %swap3A_247] : memref<10x32x4096xf32, #tpu.memory_space<vmem>>, vector<1x32x4096xf32>
    %swap3A_249 = vector.shape_cast %swap3A_248 : vector<1x32x4096xf32> to vector<32x4096xf32>
    %swap3A_250 = vector.shape_cast %tanh3A_244 : vector<32x4096xf32> to vector<1x32x4096xf32>
    tpu.vector_store %arg8[%swap3A_245, %swap3A_246, %swap3A_247], %swap3A_250 {strides = array<i32>} : memref<10x32x4096xf32, #tpu.memory_space<vmem>>, vector<1x32x4096xf32>,
    %get3A_251 = arith.constant 4 : index
    %get3A_252 = arith.constant 0 : index
    %get3A_253 = arith.constant 0 : index
    %get3A_254 = vector.load %arg3[%get3A_251, %get3A_252, %get3A_253] : memref<10x16x4096xf32, #tpu.memory_space<vmem>>, vector<1x16x4096xf32>
    %get3A_255 = vector.shape_cast %get3A_254 : vector<1x16x4096xf32> to vector<16x4096xf32>
    %get3A_256 = arith.constant 0 : index
    %get3A_257 = arith.constant 0 : index
    %get3A_258 = vector.load %arg6[%get3A_256, %get3A_257] : memref<32x16xf32, #tpu.memory_space<vmem>>, vector<32x16xf32>
    %dot_general3A_259 = arith.constant dense<0.000000e+00> : vector<32x4096xf32>
    %dot_general3A_260 = tpu.matmul %get3A_258, %get3A_255, %dot_general3A_259 {dimension_numbers = #tpu.dot_dimension_numbers<[1], [0], [0], [1], [0, 0, 1, 1], [], []>, transpose_lhs_hint = false} : vector<32x16xf32>, vector<16x4096xf32>, vector<32x4096xf32> -> vector<32x4096xf32>
    %get3A_261 = arith.constant 2048 : index
    %get3A_262 = arith.constant 0 : index
    %get3A_263 = vector.load %arg4[%get3A_261, %get3A_262] : memref<5120x128xf32, #tpu.memory_space<vmem>>, vector<512x128xf32>
    %get3A_264 = arith.constant 0 : index
    %get3A_265 = arith.constant 0 : index
    %get3A_266 = vector.load %arg5[%get3A_264, %get3A_265] : memref<128x256xf32, #tpu.memory_space<vmem>>, vector<128x256xf32>
    %dot_general3A_267 = arith.constant dense<0.000000e+00> : vector<512x256xf32>
    %dot_general3A_268 = tpu.matmul %get3A_263, %get3A_266, %dot_general3A_267 {dimension_numbers = #tpu.dot_dimension_numbers<[1], [0], [0], [1], [0, 0, 1, 1], [], []>, transpose_lhs_hint = false} : vector<512x128xf32>, vector<128x256xf32>, vector<512x256xf32> -> vector<512x256xf32>
    %transpose3A_269 = tpu.transpose %dot_general3A_268, [1, 0] : vector<512x256xf32> -> vector<256x512xf32>
    %slice3A_270 = vector.extract_strided_slice %transpose3A_269 {offsets = [0, 0], sizes = [32, 512], strides = [1, 1]} : vector<256x512xf32> to vector<32x512xf32>
    %slice3A_271 = vector.extract_strided_slice %transpose3A_269 {offsets = [32, 0], sizes = [32, 512], strides = [1, 1]} : vector<256x512xf32> to vector<32x512xf32>
    %slice3A_272 = vector.extract_strided_slice %transpose3A_269 {offsets = [64, 0], sizes = [32, 512], strides = [1, 1]} : vector<256x512xf32> to vector<32x512xf32>
    %slice3A_273 = vector.extract_strided_slice %transpose3A_269 {offsets = [96, 0], sizes = [32, 512], strides = [1, 1]} : vector<256x512xf32> to vector<32x512xf32>
    %slice3A_274 = vector.extract_strided_slice %transpose3A_269 {offsets = [128, 0], sizes = [32, 512], strides = [1, 1]} : vector<256x512xf32> to vector<32x512xf32>
    %slice3A_275 = vector.extract_strided_slice %transpose3A_269 {offsets = [160, 0], sizes = [32, 512], strides = [1, 1]} : vector<256x512xf32> to vector<32x512xf32>
    %slice3A_276 = vector.extract_strided_slice %transpose3A_269 {offsets = [192, 0], sizes = [32, 512], strides = [1, 1]} : vector<256x512xf32> to vector<32x512xf32>
    %slice3A_277 = vector.extract_strided_slice %transpose3A_269 {offsets = [224, 0], sizes = [32, 512], strides = [1, 1]} : vector<256x512xf32> to vector<32x512xf32>
    %concatenate3A_278 = tpu.concatenate %slice3A_270, %slice3A_271, %slice3A_272, %slice3A_273, %slice3A_274, %slice3A_275, %slice3A_276, %slice3A_277 in 1 : vector<32x512xf32>, vector<32x512xf32>, vector<32x512xf32>, vector<32x512xf32>, vector<32x512xf32>, vector<32x512xf32>, vector<32x512xf32>, vector<32x512xf32> -> vector<32x4096xf32>
    %add3A_279 = arith.addf %dot_general3A_260, %concatenate3A_278 : vector<32x4096xf32>
    %get3A_280 = arith.constant 0 : index
    %get3A_281 = arith.constant 0 : index
    %get3A_282 = vector.load %arg7[%get3A_280, %get3A_281] : memref<32x128xf32, #tpu.memory_space<vmem>>, vector<32x1xf32>
    %get3A_283 = arith.constant 4 : index
    %get3A_284 = arith.constant 0 : index
    %get3A_285 = arith.constant 0 : index
    %get3A_286 = vector.load %arg1[%get3A_283, %get3A_284, %get3A_285] : memref<10x1x4096xf32, #tpu.memory_space<vmem>>, vector<1x1x4096xf32>
    %get3A_287 = vector.shape_cast %get3A_286 : vector<1x1x4096xf32> to vector<1x4096xf32>
    %mul3A_288 = vector.broadcast %get3A_282 : vector<32x1xf32> to vector<32x4096xf32>
    %mul3A_289 = vector.broadcast %get3A_287 : vector<1x4096xf32> to vector<32x4096xf32>
    %mul3A_290 = arith.mulf %mul3A_288, %mul3A_289 : vector<32x4096xf32>
    %add3A_291 = arith.addf %add3A_279, %mul3A_290 : vector<32x4096xf32>
    %get3A_292 = arith.constant 0 : index
    %get3A_293 = arith.constant 1 : index
    %get3A_294 = vector.load %arg7[%get3A_292, %get3A_293] : memref<32x128xf32, #tpu.memory_space<vmem>>, vector<32x1xf32>
    %get3A_295 = arith.constant 4 : index
    %get3A_296 = arith.constant 0 : index
    %get3A_297 = arith.constant 0 : index
    %get3A_298 = vector.load %arg2[%get3A_295, %get3A_296, %get3A_297] : memref<10x1x4096xf32, #tpu.memory_space<vmem>>, vector<1x1x4096xf32>
    %get3A_299 = vector.shape_cast %get3A_298 : vector<1x1x4096xf32> to vector<1x4096xf32>
    %mul3A_300 = vector.broadcast %get3A_294 : vector<32x1xf32> to vector<32x4096xf32>
    %mul3A_301 = vector.broadcast %get3A_299 : vector<1x4096xf32> to vector<32x4096xf32>
    %mul3A_302 = arith.mulf %mul3A_300, %mul3A_301 : vector<32x4096xf32>
    %add3A_303 = arith.addf %add3A_291, %mul3A_302 : vector<32x4096xf32>
    %get3A_304 = arith.constant 0 : index
    %get3A_305 = arith.constant 2 : index
    %get3A_306 = vector.load %arg7[%get3A_304, %get3A_305] : memref<32x128xf32, #tpu.memory_space<vmem>>, vector<32x1xf32>
    %add3A_307 = vector.broadcast %get3A_306 : vector<32x1xf32> to vector<32x4096xf32>
    %add3A_308 = arith.addf %add3A_303, %add3A_307 : vector<32x4096xf32>
    %tanh3A_309 = math.tanh %add3A_308 : vector<32x4096xf32>
    %swap3A_310 = arith.constant 4 : index
    %swap3A_311 = arith.constant 0 : index
    %swap3A_312 = arith.constant 0 : index
    %swap3A_313 = vector.load %arg8[%swap3A_310, %swap3A_311, %swap3A_312] : memref<10x32x4096xf32, #tpu.memory_space<vmem>>, vector<1x32x4096xf32>
    %swap3A_314 = vector.shape_cast %swap3A_313 : vector<1x32x4096xf32> to vector<32x4096xf32>
    %swap3A_315 = vector.shape_cast %tanh3A_309 : vector<32x4096xf32> to vector<1x32x4096xf32>
    tpu.vector_store %arg8[%swap3A_310, %swap3A_311, %swap3A_312], %swap3A_315 {strides = array<i32>} : memref<10x32x4096xf32, #tpu.memory_space<vmem>>, vector<1x32x4096xf32>,
    %get3A_316 = arith.constant 5 : index
    %get3A_317 = arith.constant 0 : index
    %get3A_318 = arith.constant 0 : index
    %get3A_319 = vector.load %arg3[%get3A_316, %get3A_317, %get3A_318] : memref<10x16x4096xf32, #tpu.memory_space<vmem>>, vector<1x16x4096xf32>
    %get3A_320 = vector.shape_cast %get3A_319 : vector<1x16x4096xf32> to vector<16x4096xf32>
    %get3A_321 = arith.constant 0 : index
    %get3A_322 = arith.constant 0 : index
    %get3A_323 = vector.load %arg6[%get3A_321, %get3A_322] : memref<32x16xf32, #tpu.memory_space<vmem>>, vector<32x16xf32>
    %dot_general3A_324 = arith.constant dense<0.000000e+00> : vector<32x4096xf32>
    %dot_general3A_325 = tpu.matmul %get3A_323, %get3A_320, %dot_general3A_324 {dimension_numbers = #tpu.dot_dimension_numbers<[1], [0], [0], [1], [0, 0, 1, 1], [], []>, transpose_lhs_hint = false} : vector<32x16xf32>, vector<16x4096xf32>, vector<32x4096xf32> -> vector<32x4096xf32>
    %get3A_326 = arith.constant 2560 : index
    %get3A_327 = arith.constant 0 : index
    %get3A_328 = vector.load %arg4[%get3A_326, %get3A_327] : memref<5120x128xf32, #tpu.memory_space<vmem>>, vector<512x128xf32>
    %get3A_329 = arith.constant 0 : index
    %get3A_330 = arith.constant 0 : index
    %get3A_331 = vector.load %arg5[%get3A_329, %get3A_330] : memref<128x256xf32, #tpu.memory_space<vmem>>, vector<128x256xf32>
    %dot_general3A_332 = arith.constant dense<0.000000e+00> : vector<512x256xf32>
    %dot_general3A_333 = tpu.matmul %get3A_328, %get3A_331, %dot_general3A_332 {dimension_numbers = #tpu.dot_dimension_numbers<[1], [0], [0], [1], [0, 0, 1, 1], [], []>, transpose_lhs_hint = false} : vector<512x128xf32>, vector<128x256xf32>, vector<512x256xf32> -> vector<512x256xf32>
    %transpose3A_334 = tpu.transpose %dot_general3A_333, [1, 0] : vector<512x256xf32> -> vector<256x512xf32>
    %slice3A_335 = vector.extract_strided_slice %transpose3A_334 {offsets = [0, 0], sizes = [32, 512], strides = [1, 1]} : vector<256x512xf32> to vector<32x512xf32>
    %slice3A_336 = vector.extract_strided_slice %transpose3A_334 {offsets = [32, 0], sizes = [32, 512], strides = [1, 1]} : vector<256x512xf32> to vector<32x512xf32>
    %slice3A_337 = vector.extract_strided_slice %transpose3A_334 {offsets = [64, 0], sizes = [32, 512], strides = [1, 1]} : vector<256x512xf32> to vector<32x512xf32>
    %slice3A_338 = vector.extract_strided_slice %transpose3A_334 {offsets = [96, 0], sizes = [32, 512], strides = [1, 1]} : vector<256x512xf32> to vector<32x512xf32>
    %slice3A_339 = vector.extract_strided_slice %transpose3A_334 {offsets = [128, 0], sizes = [32, 512], strides = [1, 1]} : vector<256x512xf32> to vector<32x512xf32>
    %slice3A_340 = vector.extract_strided_slice %transpose3A_334 {offsets = [160, 0], sizes = [32, 512], strides = [1, 1]} : vector<256x512xf32> to vector<32x512xf32>
    %slice3A_341 = vector.extract_strided_slice %transpose3A_334 {offsets = [192, 0], sizes = [32, 512], strides = [1, 1]} : vector<256x512xf32> to vector<32x512xf32>
    %slice3A_342 = vector.extract_strided_slice %transpose3A_334 {offsets = [224, 0], sizes = [32, 512], strides = [1, 1]} : vector<256x512xf32> to vector<32x512xf32>
    %concatenate3A_343 = tpu.concatenate %slice3A_335, %slice3A_336, %slice3A_337, %slice3A_338, %slice3A_339, %slice3A_340, %slice3A_341, %slice3A_342 in 1 : vector<32x512xf32>, vector<32x512xf32>, vector<32x512xf32>, vector<32x512xf32>, vector<32x512xf32>, vector<32x512xf32>, vector<32x512xf32>, vector<32x512xf32> -> vector<32x4096xf32>
    %add3A_344 = arith.addf %dot_general3A_325, %concatenate3A_343 : vector<32x4096xf32>
    %get3A_345 = arith.constant 0 : index
    %get3A_346 = arith.constant 0 : index
    %get3A_347 = vector.load %arg7[%get3A_345, %get3A_346] : memref<32x128xf32, #tpu.memory_space<vmem>>, vector<32x1xf32>
    %get3A_348 = arith.constant 5 : index
    %get3A_349 = arith.constant 0 : index
    %get3A_350 = arith.constant 0 : index
    %get3A_351 = vector.load %arg1[%get3A_348, %get3A_349, %get3A_350] : memref<10x1x4096xf32, #tpu.memory_space<vmem>>, vector<1x1x4096xf32>
    %get3A_352 = vector.shape_cast %get3A_351 : vector<1x1x4096xf32> to vector<1x4096xf32>
    %mul3A_353 = vector.broadcast %get3A_347 : vector<32x1xf32> to vector<32x4096xf32>
    %mul3A_354 = vector.broadcast %get3A_352 : vector<1x4096xf32> to vector<32x4096xf32>
    %mul3A_355 = arith.mulf %mul3A_353, %mul3A_354 : vector<32x4096xf32>
    %add3A_356 = arith.addf %add3A_344, %mul3A_355 : vector<32x4096xf32>
    %get3A_357 = arith.constant 0 : index
    %get3A_358 = arith.constant 1 : index
    %get3A_359 = vector.load %arg7[%get3A_357, %get3A_358] : memref<32x128xf32, #tpu.memory_space<vmem>>, vector<32x1xf32>
    %get3A_360 = arith.constant 5 : index
    %get3A_361 = arith.constant 0 : index
    %get3A_362 = arith.constant 0 : index
    %get3A_363 = vector.load %arg2[%get3A_360, %get3A_361, %get3A_362] : memref<10x1x4096xf32, #tpu.memory_space<vmem>>, vector<1x1x4096xf32>
    %get3A_364 = vector.shape_cast %get3A_363 : vector<1x1x4096xf32> to vector<1x4096xf32>
    %mul3A_365 = vector.broadcast %get3A_359 : vector<32x1xf32> to vector<32x4096xf32>
    %mul3A_366 = vector.broadcast %get3A_364 : vector<1x4096xf32> to vector<32x4096xf32>
    %mul3A_367 = arith.mulf %mul3A_365, %mul3A_366 : vector<32x4096xf32>
    %add3A_368 = arith.addf %add3A_356, %mul3A_367 : vector<32x4096xf32>
    %get3A_369 = arith.constant 0 : index
    %get3A_370 = arith.constant 2 : index
    %get3A_371 = vector.load %arg7[%get3A_369, %get3A_370] : memref<32x128xf32, #tpu.memory_space<vmem>>, vector<32x1xf32>
    %add3A_372 = vector.broadcast %get3A_371 : vector<32x1xf32> to vector<32x4096xf32>
    %add3A_373 = arith.addf %add3A_368, %add3A_372 : vector<32x4096xf32>
    %tanh3A_374 = math.tanh %add3A_373 : vector<32x4096xf32>
    %swap3A_375 = arith.constant 5 : index
    %swap3A_376 = arith.constant 0 : index
    %swap3A_377 = arith.constant 0 : index
    %swap3A_378 = vector.load %arg8[%swap3A_375, %swap3A_376, %swap3A_377] : memref<10x32x4096xf32, #tpu.memory_space<vmem>>, vector<1x32x4096xf32>
    %swap3A_379 = vector.shape_cast %swap3A_378 : vector<1x32x4096xf32> to vector<32x4096xf32>
    %swap3A_380 = vector.shape_cast %tanh3A_374 : vector<32x4096xf32> to vector<1x32x4096xf32>
    tpu.vector_store %arg8[%swap3A_375, %swap3A_376, %swap3A_377], %swap3A_380 {strides = array<i32>} : memref<10x32x4096xf32, #tpu.memory_space<vmem>>, vector<1x32x4096xf32>,
    %get3A_381 = arith.constant 6 : index
    %get3A_382 = arith.constant 0 : index
    %get3A_383 = arith.constant 0 : index
    %get3A_384 = vector.load %arg3[%get3A_381, %get3A_382, %get3A_383] : memref<10x16x4096xf32, #tpu.memory_space<vmem>>, vector<1x16x4096xf32>
    %get3A_385 = vector.shape_cast %get3A_384 : vector<1x16x4096xf32> to vector<16x4096xf32>
    %get3A_386 = arith.constant 0 : index
    %get3A_387 = arith.constant 0 : index
    %get3A_388 = vector.load %arg6[%get3A_386, %get3A_387] : memref<32x16xf32, #tpu.memory_space<vmem>>, vector<32x16xf32>
    %dot_general3A_389 = arith.constant dense<0.000000e+00> : vector<32x4096xf32>
    %dot_general3A_390 = tpu.matmul %get3A_388, %get3A_385, %dot_general3A_389 {dimension_numbers = #tpu.dot_dimension_numbers<[1], [0], [0], [1], [0, 0, 1, 1], [], []>, transpose_lhs_hint = false} : vector<32x16xf32>, vector<16x4096xf32>, vector<32x4096xf32> -> vector<32x4096xf32>
    %get3A_391 = arith.constant 3072 : index
    %get3A_392 = arith.constant 0 : index
    %get3A_393 = vector.load %arg4[%get3A_391, %get3A_392] : memref<5120x128xf32, #tpu.memory_space<vmem>>, vector<512x128xf32>
    %get3A_394 = arith.constant 0 : index
    %get3A_395 = arith.constant 0 : index
    %get3A_396 = vector.load %arg5[%get3A_394, %get3A_395] : memref<128x256xf32, #tpu.memory_space<vmem>>, vector<128x256xf32>
    %dot_general3A_397 = arith.constant dense<0.000000e+00> : vector<512x256xf32>
    %dot_general3A_398 = tpu.matmul %get3A_393, %get3A_396, %dot_general3A_397 {dimension_numbers = #tpu.dot_dimension_numbers<[1], [0], [0], [1], [0, 0, 1, 1], [], []>, transpose_lhs_hint = false} : vector<512x128xf32>, vector<128x256xf32>, vector<512x256xf32> -> vector<512x256xf32>
    %transpose3A_399 = tpu.transpose %dot_general3A_398, [1, 0] : vector<512x256xf32> -> vector<256x512xf32>
    %slice3A_400 = vector.extract_strided_slice %transpose3A_399 {offsets = [0, 0], sizes = [32, 512], strides = [1, 1]} : vector<256x512xf32> to vector<32x512xf32>
    %slice3A_401 = vector.extract_strided_slice %transpose3A_399 {offsets = [32, 0], sizes = [32, 512], strides = [1, 1]} : vector<256x512xf32> to vector<32x512xf32>
    %slice3A_402 = vector.extract_strided_slice %transpose3A_399 {offsets = [64, 0], sizes = [32, 512], strides = [1, 1]} : vector<256x512xf32> to vector<32x512xf32>
    %slice3A_403 = vector.extract_strided_slice %transpose3A_399 {offsets = [96, 0], sizes = [32, 512], strides = [1, 1]} : vector<256x512xf32> to vector<32x512xf32>
    %slice3A_404 = vector.extract_strided_slice %transpose3A_399 {offsets = [128, 0], sizes = [32, 512], strides = [1, 1]} : vector<256x512xf32> to vector<32x512xf32>
    %slice3A_405 = vector.extract_strided_slice %transpose3A_399 {offsets = [160, 0], sizes = [32, 512], strides = [1, 1]} : vector<256x512xf32> to vector<32x512xf32>
    %slice3A_406 = vector.extract_strided_slice %transpose3A_399 {offsets = [192, 0], sizes = [32, 512], strides = [1, 1]} : vector<256x512xf32> to vector<32x512xf32>
    %slice3A_407 = vector.extract_strided_slice %transpose3A_399 {offsets = [224, 0], sizes = [32, 512], strides = [1, 1]} : vector<256x512xf32> to vector<32x512xf32>
    %concatenate3A_408 = tpu.concatenate %slice3A_400, %slice3A_401, %slice3A_402, %slice3A_403, %slice3A_404, %slice3A_405, %slice3A_406, %slice3A_407 in 1 : vector<32x512xf32>, vector<32x512xf32>, vector<32x512xf32>, vector<32x512xf32>, vector<32x512xf32>, vector<32x512xf32>, vector<32x512xf32>, vector<32x512xf32> -> vector<32x4096xf32>
    %add3A_409 = arith.addf %dot_general3A_390, %concatenate3A_408 : vector<32x4096xf32>
    %get3A_410 = arith.constant 0 : index
    %get3A_411 = arith.constant 0 : index
    %get3A_412 = vector.load %arg7[%get3A_410, %get3A_411] : memref<32x128xf32, #tpu.memory_space<vmem>>, vector<32x1xf32>
    %get3A_413 = arith.constant 6 : index
    %get3A_414 = arith.constant 0 : index
    %get3A_415 = arith.constant 0 : index
    %get3A_416 = vector.load %arg1[%get3A_413, %get3A_414, %get3A_415] : memref<10x1x4096xf32, #tpu.memory_space<vmem>>, vector<1x1x4096xf32>
    %get3A_417 = vector.shape_cast %get3A_416 : vector<1x1x4096xf32> to vector<1x4096xf32>
    %mul3A_418 = vector.broadcast %get3A_412 : vector<32x1xf32> to vector<32x4096xf32>
    %mul3A_419 = vector.broadcast %get3A_417 : vector<1x4096xf32> to vector<32x4096xf32>
    %mul3A_420 = arith.mulf %mul3A_418, %mul3A_419 : vector<32x4096xf32>
    %add3A_421 = arith.addf %add3A_409, %mul3A_420 : vector<32x4096xf32>
    %get3A_422 = arith.constant 0 : index
    %get3A_423 = arith.constant 1 : index
    %get3A_424 = vector.load %arg7[%get3A_422, %get3A_423] : memref<32x128xf32, #tpu.memory_space<vmem>>, vector<32x1xf32>
    %get3A_425 = arith.constant 6 : index
    %get3A_426 = arith.constant 0 : index
    %get3A_427 = arith.constant 0 : index
    %get3A_428 = vector.load %arg2[%get3A_425, %get3A_426, %get3A_427] : memref<10x1x4096xf32, #tpu.memory_space<vmem>>, vector<1x1x4096xf32>
    %get3A_429 = vector.shape_cast %get3A_428 : vector<1x1x4096xf32> to vector<1x4096xf32>
    %mul3A_430 = vector.broadcast %get3A_424 : vector<32x1xf32> to vector<32x4096xf32>
    %mul3A_431 = vector.broadcast %get3A_429 : vector<1x4096xf32> to vector<32x4096xf32>
    %mul3A_432 = arith.mulf %mul3A_430, %mul3A_431 : vector<32x4096xf32>
    %add3A_433 = arith.addf %add3A_421, %mul3A_432 : vector<32x4096xf32>
    %get3A_434 = arith.constant 0 : index
    %get3A_435 = arith.constant 2 : index
    %get3A_436 = vector.load %arg7[%get3A_434, %get3A_435] : memref<32x128xf32, #tpu.memory_space<vmem>>, vector<32x1xf32>
    %add3A_437 = vector.broadcast %get3A_436 : vector<32x1xf32> to vector<32x4096xf32>
    %add3A_438 = arith.addf %add3A_433, %add3A_437 : vector<32x4096xf32>
    %tanh3A_439 = math.tanh %add3A_438 : vector<32x4096xf32>
    %swap3A_440 = arith.constant 6 : index
    %swap3A_441 = arith.constant 0 : index
    %swap3A_442 = arith.constant 0 : index
    %swap3A_443 = vector.load %arg8[%swap3A_440, %swap3A_441, %swap3A_442] : memref<10x32x4096xf32, #tpu.memory_space<vmem>>, vector<1x32x4096xf32>
    %swap3A_444 = vector.shape_cast %swap3A_443 : vector<1x32x4096xf32> to vector<32x4096xf32>
    %swap3A_445 = vector.shape_cast %tanh3A_439 : vector<32x4096xf32> to vector<1x32x4096xf32>
    tpu.vector_store %arg8[%swap3A_440, %swap3A_441, %swap3A_442], %swap3A_445 {strides = array<i32>} : memref<10x32x4096xf32, #tpu.memory_space<vmem>>, vector<1x32x4096xf32>,
    %get3A_446 = arith.constant 7 : index
    %get3A_447 = arith.constant 0 : index
    %get3A_448 = arith.constant 0 : index
    %get3A_449 = vector.load %arg3[%get3A_446, %get3A_447, %get3A_448] : memref<10x16x4096xf32, #tpu.memory_space<vmem>>, vector<1x16x4096xf32>
    %get3A_450 = vector.shape_cast %get3A_449 : vector<1x16x4096xf32> to vector<16x4096xf32>
    %get3A_451 = arith.constant 0 : index
    %get3A_452 = arith.constant 0 : index
    %get3A_453 = vector.load %arg6[%get3A_451, %get3A_452] : memref<32x16xf32, #tpu.memory_space<vmem>>, vector<32x16xf32>
    %dot_general3A_454 = arith.constant dense<0.000000e+00> : vector<32x4096xf32>
    %dot_general3A_455 = tpu.matmul %get3A_453, %get3A_450, %dot_general3A_454 {dimension_numbers = #tpu.dot_dimension_numbers<[1], [0], [0], [1], [0, 0, 1, 1], [], []>, transpose_lhs_hint = false} : vector<32x16xf32>, vector<16x4096xf32>, vector<32x4096xf32> -> vector<32x4096xf32>
    %get3A_456 = arith.constant 3584 : index
    %get3A_457 = arith.constant 0 : index
    %get3A_458 = vector.load %arg4[%get3A_456, %get3A_457] : memref<5120x128xf32, #tpu.memory_space<vmem>>, vector<512x128xf32>
    %get3A_459 = arith.constant 0 : index
    %get3A_460 = arith.constant 0 : index
    %get3A_461 = vector.load %arg5[%get3A_459, %get3A_460] : memref<128x256xf32, #tpu.memory_space<vmem>>, vector<128x256xf32>
    %dot_general3A_462 = arith.constant dense<0.000000e+00> : vector<512x256xf32>
    %dot_general3A_463 = tpu.matmul %get3A_458, %get3A_461, %dot_general3A_462 {dimension_numbers = #tpu.dot_dimension_numbers<[1], [0], [0], [1], [0, 0, 1, 1], [], []>, transpose_lhs_hint = false} : vector<512x128xf32>, vector<128x256xf32>, vector<512x256xf32> -> vector<512x256xf32>
    %transpose3A_464 = tpu.transpose %dot_general3A_463, [1, 0] : vector<512x256xf32> -> vector<256x512xf32>
    %slice3A_465 = vector.extract_strided_slice %transpose3A_464 {offsets = [0, 0], sizes = [32, 512], strides = [1, 1]} : vector<256x512xf32> to vector<32x512xf32>
    %slice3A_466 = vector.extract_strided_slice %transpose3A_464 {offsets = [32, 0], sizes = [32, 512], strides = [1, 1]} : vector<256x512xf32> to vector<32x512xf32>
    %slice3A_467 = vector.extract_strided_slice %transpose3A_464 {offsets = [64, 0], sizes = [32, 512], strides = [1, 1]} : vector<256x512xf32> to vector<32x512xf32>
    %slice3A_468 = vector.extract_strided_slice %transpose3A_464 {offsets = [96, 0], sizes = [32, 512], strides = [1, 1]} : vector<256x512xf32> to vector<32x512xf32>
    %slice3A_469 = vector.extract_strided_slice %transpose3A_464 {offsets = [128, 0], sizes = [32, 512], strides = [1, 1]} : vector<256x512xf32> to vector<32x512xf32>
    %slice3A_470 = vector.extract_strided_slice %transpose3A_464 {offsets = [160, 0], sizes = [32, 512], strides = [1, 1]} : vector<256x512xf32> to vector<32x512xf32>
    %slice3A_471 = vector.extract_strided_slice %transpose3A_464 {offsets = [192, 0], sizes = [32, 512], strides = [1, 1]} : vector<256x512xf32> to vector<32x512xf32>
    %slice3A_472 = vector.extract_strided_slice %transpose3A_464 {offsets = [224, 0], sizes = [32, 512], strides = [1, 1]} : vector<256x512xf32> to vector<32x512xf32>
    %concatenate3A_473 = tpu.concatenate %slice3A_465, %slice3A_466, %slice3A_467, %slice3A_468, %slice3A_469, %slice3A_470, %slice3A_471, %slice3A_472 in 1 : vector<32x512xf32>, vector<32x512xf32>, vector<32x512xf32>, vector<32x512xf32>, vector<32x512xf32>, vector<32x512xf32>, vector<32x512xf32>, vector<32x512xf32> -> vector<32x4096xf32>
    %add3A_474 = arith.addf %dot_general3A_455, %concatenate3A_473 : vector<32x4096xf32>
    %get3A_475 = arith.constant 0 : index
    %get3A_476 = arith.constant 0 : index
    %get3A_477 = vector.load %arg7[%get3A_475, %get3A_476] : memref<32x128xf32, #tpu.memory_space<vmem>>, vector<32x1xf32>
    %get3A_478 = arith.constant 7 : index
    %get3A_479 = arith.constant 0 : index
    %get3A_480 = arith.constant 0 : index
    %get3A_481 = vector.load %arg1[%get3A_478, %get3A_479, %get3A_480] : memref<10x1x4096xf32, #tpu.memory_space<vmem>>, vector<1x1x4096xf32>
    %get3A_482 = vector.shape_cast %get3A_481 : vector<1x1x4096xf32> to vector<1x4096xf32>
    %mul3A_483 = vector.broadcast %get3A_477 : vector<32x1xf32> to vector<32x4096xf32>
    %mul3A_484 = vector.broadcast %get3A_482 : vector<1x4096xf32> to vector<32x4096xf32>
    %mul3A_485 = arith.mulf %mul3A_483, %mul3A_484 : vector<32x4096xf32>
    %add3A_486 = arith.addf %add3A_474, %mul3A_485 : vector<32x4096xf32>
    %get3A_487 = arith.constant 0 : index
    %get3A_488 = arith.constant 1 : index
    %get3A_489 = vector.load %arg7[%get3A_487, %get3A_488] : memref<32x128xf32, #tpu.memory_space<vmem>>, vector<32x1xf32>
    %get3A_490 = arith.constant 7 : index
    %get3A_491 = arith.constant 0 : index
    %get3A_492 = arith.constant 0 : index
    %get3A_493 = vector.load %arg2[%get3A_490, %get3A_491, %get3A_492] : memref<10x1x4096xf32, #tpu.memory_space<vmem>>, vector<1x1x4096xf32>
    %get3A_494 = vector.shape_cast %get3A_493 : vector<1x1x4096xf32> to vector<1x4096xf32>
    %mul3A_495 = vector.broadcast %get3A_489 : vector<32x1xf32> to vector<32x4096xf32>
    %mul3A_496 = vector.broadcast %get3A_494 : vector<1x4096xf32> to vector<32x4096xf32>
    %mul3A_497 = arith.mulf %mul3A_495, %mul3A_496 : vector<32x4096xf32>
    %add3A_498 = arith.addf %add3A_486, %mul3A_497 : vector<32x4096xf32>
    %get3A_499 = arith.constant 0 : index
    %get3A_500 = arith.constant 2 : index
    %get3A_501 = vector.load %arg7[%get3A_499, %get3A_500] : memref<32x128xf32, #tpu.memory_space<vmem>>, vector<32x1xf32>
    %add3A_502 = vector.broadcast %get3A_501 : vector<32x1xf32> to vector<32x4096xf32>
    %add3A_503 = arith.addf %add3A_498, %add3A_502 : vector<32x4096xf32>
    %tanh3A_504 = math.tanh %add3A_503 : vector<32x4096xf32>
    %swap3A_505 = arith.constant 7 : index
    %swap3A_506 = arith.constant 0 : index
    %swap3A_507 = arith.constant 0 : index
    %swap3A_508 = vector.load %arg8[%swap3A_505, %swap3A_506, %swap3A_507] : memref<10x32x4096xf32, #tpu.memory_space<vmem>>, vector<1x32x4096xf32>
    %swap3A_509 = vector.shape_cast %swap3A_508 : vector<1x32x4096xf32> to vector<32x4096xf32>
    %swap3A_510 = vector.shape_cast %tanh3A_504 : vector<32x4096xf32> to vector<1x32x4096xf32>
    tpu.vector_store %arg8[%swap3A_505, %swap3A_506, %swap3A_507], %swap3A_510 {strides = array<i32>} : memref<10x32x4096xf32, #tpu.memory_space<vmem>>, vector<1x32x4096xf32>,
    %get3A_511 = arith.constant 8 : index
    %get3A_512 = arith.constant 0 : index
    %get3A_513 = arith.constant 0 : index
    %get3A_514 = vector.load %arg3[%get3A_511, %get3A_512, %get3A_513] : memref<10x16x4096xf32, #tpu.memory_space<vmem>>, vector<1x16x4096xf32>
    %get3A_515 = vector.shape_cast %get3A_514 : vector<1x16x4096xf32> to vector<16x4096xf32>
    %get3A_516 = arith.constant 0 : index
    %get3A_517 = arith.constant 0 : index
    %get3A_518 = vector.load %arg6[%get3A_516, %get3A_517] : memref<32x16xf32, #tpu.memory_space<vmem>>, vector<32x16xf32>
    %dot_general3A_519 = arith.constant dense<0.000000e+00> : vector<32x4096xf32>
    %dot_general3A_520 = tpu.matmul %get3A_518, %get3A_515, %dot_general3A_519 {dimension_numbers = #tpu.dot_dimension_numbers<[1], [0], [0], [1], [0, 0, 1, 1], [], []>, transpose_lhs_hint = false} : vector<32x16xf32>, vector<16x4096xf32>, vector<32x4096xf32> -> vector<32x4096xf32>
    %get3A_521 = arith.constant 4096 : index
    %get3A_522 = arith.constant 0 : index
    %get3A_523 = vector.load %arg4[%get3A_521, %get3A_522] : memref<5120x128xf32, #tpu.memory_space<vmem>>, vector<512x128xf32>
    %get3A_524 = arith.constant 0 : index
    %get3A_525 = arith.constant 0 : index
    %get3A_526 = vector.load %arg5[%get3A_524, %get3A_525] : memref<128x256xf32, #tpu.memory_space<vmem>>, vector<128x256xf32>
    %dot_general3A_527 = arith.constant dense<0.000000e+00> : vector<512x256xf32>
    %dot_general3A_528 = tpu.matmul %get3A_523, %get3A_526, %dot_general3A_527 {dimension_numbers = #tpu.dot_dimension_numbers<[1], [0], [0], [1], [0, 0, 1, 1], [], []>, transpose_lhs_hint = false} : vector<512x128xf32>, vector<128x256xf32>, vector<512x256xf32> -> vector<512x256xf32>
    %transpose3A_529 = tpu.transpose %dot_general3A_528, [1, 0] : vector<512x256xf32> -> vector<256x512xf32>
    %slice3A_530 = vector.extract_strided_slice %transpose3A_529 {offsets = [0, 0], sizes = [32, 512], strides = [1, 1]} : vector<256x512xf32> to vector<32x512xf32>
    %slice3A_531 = vector.extract_strided_slice %transpose3A_529 {offsets = [32, 0], sizes = [32, 512], strides = [1, 1]} : vector<256x512xf32> to vector<32x512xf32>
    %slice3A_532 = vector.extract_strided_slice %transpose3A_529 {offsets = [64, 0], sizes = [32, 512], strides = [1, 1]} : vector<256x512xf32> to vector<32x512xf32>
    %slice3A_533 = vector.extract_strided_slice %transpose3A_529 {offsets = [96, 0], sizes = [32, 512], strides = [1, 1]} : vector<256x512xf32> to vector<32x512xf32>
    %slice3A_534 = vector.extract_strided_slice %transpose3A_529 {offsets = [128, 0], sizes = [32, 512], strides = [1, 1]} : vector<256x512xf32> to vector<32x512xf32>
    %slice3A_535 = vector.extract_strided_slice %transpose3A_529 {offsets = [160, 0], sizes = [32, 512], strides = [1, 1]} : vector<256x512xf32> to vector<32x512xf32>
    %slice3A_536 = vector.extract_strided_slice %transpose3A_529 {offsets = [192, 0], sizes = [32, 512], strides = [1, 1]} : vector<256x512xf32> to vector<32x512xf32>
    %slice3A_537 = vector.extract_strided_slice %transpose3A_529 {offsets = [224, 0], sizes = [32, 512], strides = [1, 1]} : vector<256x512xf32> to vector<32x512xf32>
    %concatenate3A_538 = tpu.concatenate %slice3A_530, %slice3A_531, %slice3A_532, %slice3A_533, %slice3A_534, %slice3A_535, %slice3A_536, %slice3A_537 in 1 : vector<32x512xf32>, vector<32x512xf32>, vector<32x512xf32>, vector<32x512xf32>, vector<32x512xf32>, vector<32x512xf32>, vector<32x512xf32>, vector<32x512xf32> -> vector<32x4096xf32>
    %add3A_539 = arith.addf %dot_general3A_520, %concatenate3A_538 : vector<32x4096xf32>
    %get3A_540 = arith.constant 0 : index
    %get3A_541 = arith.constant 0 : index
    %get3A_542 = vector.load %arg7[%get3A_540, %get3A_541] : memref<32x128xf32, #tpu.memory_space<vmem>>, vector<32x1xf32>
    %get3A_543 = arith.constant 8 : index
    %get3A_544 = arith.constant 0 : index
    %get3A_545 = arith.constant 0 : index
    %get3A_546 = vector.load %arg1[%get3A_543, %get3A_544, %get3A_545] : memref<10x1x4096xf32, #tpu.memory_space<vmem>>, vector<1x1x4096xf32>
    %get3A_547 = vector.shape_cast %get3A_546 : vector<1x1x4096xf32> to vector<1x4096xf32>
    %mul3A_548 = vector.broadcast %get3A_542 : vector<32x1xf32> to vector<32x4096xf32>
    %mul3A_549 = vector.broadcast %get3A_547 : vector<1x4096xf32> to vector<32x4096xf32>
    %mul3A_550 = arith.mulf %mul3A_548, %mul3A_549 : vector<32x4096xf32>
    %add3A_551 = arith.addf %add3A_539, %mul3A_550 : vector<32x4096xf32>
    %get3A_552 = arith.constant 0 : index
    %get3A_553 = arith.constant 1 : index
    %get3A_554 = vector.load %arg7[%get3A_552, %get3A_553] : memref<32x128xf32, #tpu.memory_space<vmem>>, vector<32x1xf32>
    %get3A_555 = arith.constant 8 : index
    %get3A_556 = arith.constant 0 : index
    %get3A_557 = arith.constant 0 : index
    %get3A_558 = vector.load %arg2[%get3A_555, %get3A_556, %get3A_557] : memref<10x1x4096xf32, #tpu.memory_space<vmem>>, vector<1x1x4096xf32>
    %get3A_559 = vector.shape_cast %get3A_558 : vector<1x1x4096xf32> to vector<1x4096xf32>
    %mul3A_560 = vector.broadcast %get3A_554 : vector<32x1xf32> to vector<32x4096xf32>
    %mul3A_561 = vector.broadcast %get3A_559 : vector<1x4096xf32> to vector<32x4096xf32>
    %mul3A_562 = arith.mulf %mul3A_560, %mul3A_561 : vector<32x4096xf32>
    %add3A_563 = arith.addf %add3A_551, %mul3A_562 : vector<32x4096xf32>
    %get3A_564 = arith.constant 0 : index
    %get3A_565 = arith.constant 2 : index
    %get3A_566 = vector.load %arg7[%get3A_564, %get3A_565] : memref<32x128xf32, #tpu.memory_space<vmem>>, vector<32x1xf32>
    %add3A_567 = vector.broadcast %get3A_566 : vector<32x1xf32> to vector<32x4096xf32>
    %add3A_568 = arith.addf %add3A_563, %add3A_567 : vector<32x4096xf32>
    %tanh3A_569 = math.tanh %add3A_568 : vector<32x4096xf32>
    %swap3A_570 = arith.constant 8 : index
    %swap3A_571 = arith.constant 0 : index
    %swap3A_572 = arith.constant 0 : index
    %swap3A_573 = vector.load %arg8[%swap3A_570, %swap3A_571, %swap3A_572] : memref<10x32x4096xf32, #tpu.memory_space<vmem>>, vector<1x32x4096xf32>
    %swap3A_574 = vector.shape_cast %swap3A_573 : vector<1x32x4096xf32> to vector<32x4096xf32>
    %swap3A_575 = vector.shape_cast %tanh3A_569 : vector<32x4096xf32> to vector<1x32x4096xf32>
    tpu.vector_store %arg8[%swap3A_570, %swap3A_571, %swap3A_572], %swap3A_575 {strides = array<i32>} : memref<10x32x4096xf32, #tpu.memory_space<vmem>>, vector<1x32x4096xf32>,
    %get3A_576 = arith.constant 9 : index
    %get3A_577 = arith.constant 0 : index
    %get3A_578 = arith.constant 0 : index
    %get3A_579 = vector.load %arg3[%get3A_576, %get3A_577, %get3A_578] : memref<10x16x4096xf32, #tpu.memory_space<vmem>>, vector<1x16x4096xf32>
    %get3A_580 = vector.shape_cast %get3A_579 : vector<1x16x4096xf32> to vector<16x4096xf32>
    %get3A_581 = arith.constant 0 : index
    %get3A_582 = arith.constant 0 : index
    %get3A_583 = vector.load %arg6[%get3A_581, %get3A_582] : memref<32x16xf32, #tpu.memory_space<vmem>>, vector<32x16xf32>
    %dot_general3A_584 = arith.constant dense<0.000000e+00> : vector<32x4096xf32>
    %dot_general3A_585 = tpu.matmul %get3A_583, %get3A_580, %dot_general3A_584 {dimension_numbers = #tpu.dot_dimension_numbers<[1], [0], [0], [1], [0, 0, 1, 1], [], []>, transpose_lhs_hint = false} : vector<32x16xf32>, vector<16x4096xf32>, vector<32x4096xf32> -> vector<32x4096xf32>
    %get3A_586 = arith.constant 4608 : index
    %get3A_587 = arith.constant 0 : index
    %get3A_588 = vector.load %arg4[%get3A_586, %get3A_587] : memref<5120x128xf32, #tpu.memory_space<vmem>>, vector<512x128xf32>
    %get3A_589 = arith.constant 0 : index
    %get3A_590 = arith.constant 0 : index
    %get3A_591 = vector.load %arg5[%get3A_589, %get3A_590] : memref<128x256xf32, #tpu.memory_space<vmem>>, vector<128x256xf32>
    %dot_general3A_592 = arith.constant dense<0.000000e+00> : vector<512x256xf32>
    %dot_general3A_593 = tpu.matmul %get3A_588, %get3A_591, %dot_general3A_592 {dimension_numbers = #tpu.dot_dimension_numbers<[1], [0], [0], [1], [0, 0, 1, 1], [], []>, transpose_lhs_hint = false} : vector<512x128xf32>, vector<128x256xf32>, vector<512x256xf32> -> vector<512x256xf32>
    %transpose3A_594 = tpu.transpose %dot_general3A_593, [1, 0] : vector<512x256xf32> -> vector<256x512xf32>
    %slice3A_595 = vector.extract_strided_slice %transpose3A_594 {offsets = [0, 0], sizes = [32, 512], strides = [1, 1]} : vector<256x512xf32> to vector<32x512xf32>
    %slice3A_596 = vector.extract_strided_slice %transpose3A_594 {offsets = [32, 0], sizes = [32, 512], strides = [1, 1]} : vector<256x512xf32> to vector<32x512xf32>
    %slice3A_597 = vector.extract_strided_slice %transpose3A_594 {offsets = [64, 0], sizes = [32, 512], strides = [1, 1]} : vector<256x512xf32> to vector<32x512xf32>
    %slice3A_598 = vector.extract_strided_slice %transpose3A_594 {offsets = [96, 0], sizes = [32, 512], strides = [1, 1]} : vector<256x512xf32> to vector<32x512xf32>
    %slice3A_599 = vector.extract_strided_slice %transpose3A_594 {offsets = [128, 0], sizes = [32, 512], strides = [1, 1]} : vector<256x512xf32> to vector<32x512xf32>
    %slice3A_600 = vector.extract_strided_slice %transpose3A_594 {offsets = [160, 0], sizes = [32, 512], strides = [1, 1]} : vector<256x512xf32> to vector<32x512xf32>
    %slice3A_601 = vector.extract_strided_slice %transpose3A_594 {offsets = [192, 0], sizes = [32, 512], strides = [1, 1]} : vector<256x512xf32> to vector<32x512xf32>
    %slice3A_602 = vector.extract_strided_slice %transpose3A_594 {offsets = [224, 0], sizes = [32, 512], strides = [1, 1]} : vector<256x512xf32> to vector<32x512xf32>
    %concatenate3A_603 = tpu.concatenate %slice3A_595, %slice3A_596, %slice3A_597, %slice3A_598, %slice3A_599, %slice3A_600, %slice3A_601, %slice3A_602 in 1 : vector<32x512xf32>, vector<32x512xf32>, vector<32x512xf32>, vector<32x512xf32>, vector<32x512xf32>, vector<32x512xf32>, vector<32x512xf32>, vector<32x512xf32> -> vector<32x4096xf32>
    %add3A_604 = arith.addf %dot_general3A_585, %concatenate3A_603 : vector<32x4096xf32>
    %get3A_605 = arith.constant 0 : index
    %get3A_606 = arith.constant 0 : index
    %get3A_607 = vector.load %arg7[%get3A_605, %get3A_606] : memref<32x128xf32, #tpu.memory_space<vmem>>, vector<32x1xf32>
    %get3A_608 = arith.constant 9 : index
    %get3A_609 = arith.constant 0 : index
    %get3A_610 = arith.constant 0 : index
    %get3A_611 = vector.load %arg1[%get3A_608, %get3A_609, %get3A_610] : memref<10x1x4096xf32, #tpu.memory_space<vmem>>, vector<1x1x4096xf32>
    %get3A_612 = vector.shape_cast %get3A_611 : vector<1x1x4096xf32> to vector<1x4096xf32>
    %mul3A_613 = vector.broadcast %get3A_607 : vector<32x1xf32> to vector<32x4096xf32>
    %mul3A_614 = vector.broadcast %get3A_612 : vector<1x4096xf32> to vector<32x4096xf32>
    %mul3A_615 = arith.mulf %mul3A_613, %mul3A_614 : vector<32x4096xf32>
    %add3A_616 = arith.addf %add3A_604, %mul3A_615 : vector<32x4096xf32>
    %get3A_617 = arith.constant 0 : index
    %get3A_618 = arith.constant 1 : index
    %get3A_619 = vector.load %arg7[%get3A_617, %get3A_618] : memref<32x128xf32, #tpu.memory_space<vmem>>, vector<32x1xf32>
    %get3A_620 = arith.constant 9 : index
    %get3A_621 = arith.constant 0 : index
    %get3A_622 = arith.constant 0 : index
    %get3A_623 = vector.load %arg2[%get3A_620, %get3A_621, %get3A_622] : memref<10x1x4096xf32, #tpu.memory_space<vmem>>, vector<1x1x4096xf32>
    %get3A_624 = vector.shape_cast %get3A_623 : vector<1x1x4096xf32> to vector<1x4096xf32>
    %mul3A_625 = vector.broadcast %get3A_619 : vector<32x1xf32> to vector<32x4096xf32>
    %mul3A_626 = vector.broadcast %get3A_624 : vector<1x4096xf32> to vector<32x4096xf32>
    %mul3A_627 = arith.mulf %mul3A_625, %mul3A_626 : vector<32x4096xf32>
    %add3A_628 = arith.addf %add3A_616, %mul3A_627 : vector<32x4096xf32>
    %get3A_629 = arith.constant 0 : index
    %get3A_630 = arith.constant 2 : index
    %get3A_631 = vector.load %arg7[%get3A_629, %get3A_630] : memref<32x128xf32, #tpu.memory_space<vmem>>, vector<32x1xf32>
    %add3A_632 = vector.broadcast %get3A_631 : vector<32x1xf32> to vector<32x4096xf32>
    %add3A_633 = arith.addf %add3A_628, %add3A_632 : vector<32x4096xf32>
    %tanh3A_634 = math.tanh %add3A_633 : vector<32x4096xf32>
    %swap3A_635 = arith.constant 9 : index
    %swap3A_636 = arith.constant 0 : index
    %swap3A_637 = arith.constant 0 : index
    %swap3A_638 = vector.load %arg8[%swap3A_635, %swap3A_636, %swap3A_637] : memref<10x32x4096xf32, #tpu.memory_space<vmem>>, vector<1x32x4096xf32>
    %swap3A_639 = vector.shape_cast %swap3A_638 : vector<1x32x4096xf32> to vector<32x4096xf32>
    %swap3A_640 = vector.shape_cast %tanh3A_634 : vector<32x4096xf32> to vector<1x32x4096xf32>
    tpu.vector_store %arg8[%swap3A_635, %swap3A_636, %swap3A_637], %swap3A_640 {strides = array<i32>} : memref<10x32x4096xf32, #tpu.memory_space<vmem>>, vector<1x32x4096xf32>,
    return
  }
  func.func @transform_0(%arg0: i32) -> (i32, i32, i32) {
    %c0_i32 = arith.constant 0 : i32
    %c0_i32_0 = arith.constant 0 : i32
    %c0_i32_1 = arith.constant 0 : i32
    return %arg0, %c0_i32, %c0_i32_0 : i32, i32, i32
  }
  func.func @transform_1(%arg0: i32) -> (i32, i32, i32) {
    %c0_i32 = arith.constant 0 : i32
    %c0_i32_0 = arith.constant 0 : i32
    %c0_i32_1 = arith.constant 0 : i32
    return %arg0, %c0_i32, %c0_i32_0 : i32, i32, i32
  }
  func.func @transform_2(%arg0: i32) -> (i32, i32, i32) {
    %c0_i32 = arith.constant 0 : i32
    %c0_i32_0 = arith.constant 0 : i32
    %c0_i32_1 = arith.constant 0 : i32
    return %arg0, %c0_i32, %c0_i32_0 : i32, i32, i32
  }
  func.func @transform_3(%arg0: i32) -> (i32, i32) {
    %c0_i32 = arith.constant 0 : i32
    %c0_i32_0 = arith.constant 0 : i32
    return %arg0, %c0_i32 : i32, i32
  }
  func.func @transform_4(%arg0: i32) -> (i32, i32) {
    %c0_i32 = arith.constant 0 : i32
    %c0_i32_0 = arith.constant 0 : i32
    %c0_i32_1 = arith.constant 0 : i32
    return %c0_i32, %c0_i32_0 : i32, i32
  }
  func.func @transform_5(%arg0: i32) -> (i32, i32) {
    %c0_i32 = arith.constant 0 : i32
    %c0_i32_0 = arith.constant 0 : i32
    %c0_i32_1 = arith.constant 0 : i32
    return %c0_i32, %c0_i32_0 : i32, i32
  }
  func.func @transform_6(%arg0: i32) -> (i32, i32) {
    %c0_i32 = arith.constant 0 : i32
    %c0_i32_0 = arith.constant 0 : i32
    %c0_i32_1 = arith.constant 0 : i32
    return %c0_i32, %c0_i32_0 : i32, i32
  }
  func.func @transform_7(%arg0: i32) -> (i32, i32, i32) {
    %c0_i32 = arith.constant 0 : i32
    %c0_i32_0 = arith.constant 0 : i32
    %c0_i32_1 = arith.constant 0 : i32
    return %arg0, %c0_i32, %c0_i32_0 : i32, i32, i32
  }
}

</mosaic_0001>

<sc_bundles>
// kernel: kernel.4.cloned.1.call-start
scs
__scs_entry_jumppad:
0x0: {  	(pc) =	sbr.rel $0x88, $3  }
0x1: {  	(tag) =	ssettag $0x0;
	lr =	simm.s32 $0x1  }
0x2: {  	[smem:$0x3F9A] =	sst lr;
	_ =	strace $0xD0000000  }
0x3: {  	_ = 	snop  }
0x4: {  	_ = 	snop  }
0x5: {  	_ = 	snop  }
0x6: {  	_ = 	snop  }
0x7: {  	_ = 	snop  }
__scs_overlays_trampoline_lowered:
0x8: {  	[smem:$0x3FA9] =	sst s0  }
0x9: {  	[smem:$0x3FAA] =	sst s1  }
0xa: {  	[smem:$0x3FAB] =	sst s2  }
0xb: {  	[smem:$0x3FAC] =	sst s3  }
0xc: {  	[smem:$0x3FAD] =	sst s4  }
0xd: {  	[smem:$0x3FAE] =	sst s5  }
0xe: {  	[smem:$0x3FAF] =	sst s6  }
0xf: {  	[smem:$0x3FB0] =	sst s7  }
0x10: {  	[smem:$0x3FB1] =	sst s8  }
0x11: {  	[smem:$0x3FB2] =	sst s9;
	s0 =	simm.s32 @!p0 $0x0  }
0x12: {  	s1 =	sld [smem:$0x3F98];
	s0 =	simm.s32 @p0 $0x1  }
0x13: {  	[smem:$0x3FB3] =	sst s0;
	s0 =	simm.s32 @!p1 $0x0  }
0x14: {  	s2 =	sld [smem:$0x3F97];
	s0 =	simm.s32 @p1 $0x1  }
0x15: {  	[smem:$0x3FB4] =	sst s0;
	s0 =	simm.s32 @!p2 $0x0  }
0x16: {  	s3 =	sld [smem:$0x3FDB];
	s0 =	simm.s32 @p2 $0x1  }
0x17: {  	s4 =	simm.s32 $0x1BF5;
	[smem:$0x3FB6] =	sst s0  }
0x18: {  	s0 =	sld [smem:$0x3F99];
	_ =	swait.ge [sflag:s4], $0x0  }
0x19: {  	s7 =	sld [smem:$0x3F9A]  }
0x1a: {  	s8 =	sadd.s32 $0xFFFFE003, lr  }
0x1b: {  	s9 =	sadd.s32 $0xFFFFFEF7, lr;
	s5 =	simm.s32 $0xFFFFFFFF;
	p2 =	slt.u32 s8, $0xFFFFF086  }
0x1c: {  	p1 =	slt.u32 s9, $0xF7A;
	s5 =	simm.s32 @!p2 $0x0  }
0x1d: {  	s5 =	simm.s32 @p1 $0x1;
	p0 =	seq.s32 s7, s2  }
0x1e: {  	s7 =	smul.u32 @!p0 $0xF7A, s2;
	p2 =	seq.s32 @!p0 s5, $0x0  }
0x1f: {  	s9 =	smul.u32 $0xF7A, s1;
	s8 =	simm.s32 @!p0 $0x1BF5;
	p2 =	por !p2, p0  }
0x20: {  	[sflag:s8] =	ssyncset.s32 @!p0 $0xFFFFF086;
	s6 =	sadd.s32 @!p0 s3, s7;
	s7 =	simm.s32 @!p0 $0x108  }
0x21: {  	s3 =	sadd.s32 s3, s9;
	s6 =	sadd.s32 @!p0 $0x88, s6;
	s7 =	simm.s32 @p2 $0x1082  }
0x22: {  	[simem:s7], [sflag:s8] =	dma.local @!p0 [hbm:s6], $0xF7A  }
0x23: {  	s9 =	sor.u32 $0xD0000000, s2;
	s6 =	simm.s32 $0x108;
	_ =	swait.ge @!p0 [sflag:s8], $0x0  }
0x24: {  	s3 =	sadd.s32 $0x88, s3;
	s6 =	simm.s32 @!p1 $0x1082;
	[sflag:s4] =	ssyncset.s32 $0xFFFFF086  }
0x25: {  	[simem:s6], [sflag:s4] =	dma.local [hbm:s3], $0xF7A  }
0x26: {  	[smem:$0x3F9A] =	sst s1;
	(tag) =	ssettag s2;
	_ =	strace s9  }
0x27: {  	s1 =	sld [smem:$0x3FAA]  }
0x28: {  	s2 =	sld [smem:$0x3FAB]  }
0x29: {  	s4 =	sld [smem:$0x3FAD]  }
0x2a: {  	p0 =	seq.s32 s5, $0x0;
	s5 =	sld [smem:$0x3FAE]  }
0x2b: {  	s6 =	sld [smem:$0x3FAF]  }
0x2c: {  	s7 =	sld [smem:$0x3FB0]  }
0x2d: {  	s3 =	simm.s32 $0x108;
	s8 =	sld [smem:$0x3FB1]  }
0x2e: {  	s3 =	simm.s32 @!p0 $0x1082;
	s9 =	sld [smem:$0x3FB2]  }
0x2f: {  	lr =	sadd.s32 s0, s3;
	s0 =	sld [smem:$0x3FA9]  }
0x30: {  	s3 =	sld [smem:$0x3FAC]  }
0x31: {  	[smem:$0x3FB5] =	sst s10  }
0x32: {  	s10 =	sld [smem:$0x3FB3];
	_ =	sdelay $0x3  }
0x33: {  	p0 =	seq.s32 s10, $0x1;
	s10 =	sld [smem:$0x3FB5];
	_ =	sdelay $0x3  }
0x34: {  	[smem:$0x3FB5] =	sst s10  }
0x35: {  	s10 =	sld [smem:$0x3FB4];
	_ =	sdelay $0x3  }
0x36: {  	p1 =	seq.s32 s10, $0x1;
	s10 =	sld [smem:$0x3FB5];
	_ =	sdelay $0x3  }
0x37: {  	[smem:$0x3FB5] =	sst s10  }
0x38: {  	s10 =	sld [smem:$0x3FB6]  }
0x39: {  	_ = 	snop;
	(pc) =	sbr.ind lr, $3  }
0x3a: {  	_ = 	snop  }
0x3b: {  	_ = 	snop  }
0x3c: {  	p2 =	seq.s32 s10, $0x1;
	s10 =	sld [smem:$0x3FB5]  }
0x3d: {  	_ =	shalt  }
0x3e: {  	_ =	shalt  }
0x3f: {  	_ =	shalt  }
0x40: {  	_ =	shalt  }
0x41: {  	_ =	shalt  }
0x42: {  	_ =	shalt  }
0x43: {  	_ =	shalt  }
0x44: {  	_ =	shalt  }
0x45: {  	_ =	shalt  }
0x46: {  	_ =	shalt  }
0x47: {  	_ =	shalt  }
0x48: {  	_ =	shalt  }
0x49: {  	_ =	shalt  }
0x4a: {  	_ =	shalt  }
0x4b: {  	_ =	shalt  }
0x4c: {  	_ =	shalt  }
0x4d: {  	_ =	shalt  }
0x4e: {  	_ =	shalt  }
0x4f: {  	_ =	shalt  }
0x50: {  	_ =	shalt  }
0x51: {  	_ =	shalt  }
0x52: {  	_ =	shalt  }
0x53: {  	_ =	shalt  }
0x54: {  	_ =	shalt  }
0x55: {  	_ =	shalt  }
0x56: {  	_ =	shalt  }
0x57: {  	_ =	shalt  }
0x58: {  	_ =	shalt  }
0x59: {  	_ =	shalt  }
0x5a: {  	_ =	shalt  }
0x5b: {  	_ =	shalt  }
0x5c: {  	_ =	shalt  }
0x5d: {  	_ =	shalt  }
0x5e: {  	_ =	shalt  }
0x5f: {  	_ =	shalt  }
0x60: {  	_ =	shalt  }
0x61: {  	_ =	shalt  }
0x62: {  	_ =	shalt  }
0x63: {  	_ =	shalt  }
0x64: {  	_ =	shalt  }
0x65: {  	_ =	shalt  }
0x66: {  	_ =	shalt  }
0x67: {  	_ =	shalt  }
0x68: {  	_ =	shalt  }
0x69: {  	_ =	shalt  }
0x6a: {  	_ =	shalt  }
0x6b: {  	_ =	shalt  }
0x6c: {  	_ =	shalt  }
0x6d: {  	_ =	shalt  }
0x6e: {  	_ =	shalt  }
0x6f: {  	_ =	shalt  }
0x70: {  	_ =	shalt  }
0x71: {  	_ =	shalt  }
0x72: {  	_ =	shalt  }
0x73: {  	_ =	shalt  }
0x74: {  	_ =	shalt  }
0x75: {  	_ =	shalt  }
0x76: {  	_ =	shalt  }
0x77: {  	_ =	shalt  }
0x78: {  	_ =	shalt  }
0x79: {  	_ =	shalt  }
0x7a: {  	_ =	shalt  }
0x7b: {  	_ =	shalt  }
0x7c: {  	_ =	shalt  }
0x7d: {  	_ =	shalt  }
0x7e: {  	_ =	shalt  }
0x7f: {  	_ =	shalt  }
0x80: {  	_ =	shalt  }
0x81: {  	_ =	shalt  }
0x82: {  	_ =	shalt  }
0x83: {  	_ =	shalt  }
0x84: {  	_ =	shalt  }
0x85: {  	_ =	shalt  }
0x86: {  	_ =	shalt  }
0x87: {  	_ =	shalt  }
.Lfunc_end0:
.L_simem_size_0:
called_computation_lowered:
.L_overlay_start_0:
0x88: {  	s2 =	sld [smem:$0x3FD9]  }
0x89: {  	s3 =	sld [smem:$0x3FFE];
	_ =	sdelay $0x1  }
0x8a: {  	s1 =	srdreg.scid  }
0x8b: {  	s0 =	sand.u32 $0x1, s1  }
0x8c: {  	s16 =	sshll.u32 s0, $0xA;
	s2 =	sadd.s32 s3, s2  }
0x8d: {  	s2 =	sadd.s32 s2, s16  }
0x8e: {  	[smem:$0x3FC1] =	sst s2  }
0x8f: {  	_ = 	snop  }
0x90: {  	(tm) =	ssettm $0x1  }
0x91: {  	s17 =	sld [smem:$0x3FFB];
	_ =	sdelay $0x3  }
0x92: {  	_ =	strace s17  }
0x93: {  	s2 =	sld [smem:$0x3FFC];
	_ =	sdelay $0x3  }
0x94: {  	_ =	strace s2  }
0x95: {  	s2 =	sld [smem:$0x3FFD];
	_ =	sdelay $0x3  }
0x96: {  	_ =	strace s2  }
0x97: {  	_ =	strace $0x8FFFFFFF  }
0x98: {  	s18 =	sld [smem:$0x3FDB];
	_ =	sdelay $0x1  }
0x99: {  	s19 =	simm.s32 $_scs_section_size  }
0x9a: {  	s4 =	simm.s32 $_size__tile_overlayer_lowered;
	s5 =	simm.s32 $_tile_overlayer_lowered  }
0x9b: {  	s22 =	simm.s32 $0x1BFF;
	s21 =	sshll.u32 s5, $0x1;
	s2 =	sadd.s32 s19, s18  }
0x9c: {  	s6 =	simm.s32 $0x0;
	s20 =	sshll.u32 s4, $0x1;
	s4 =	sadd.s32 s21, s2  }
0x9d: {  	[timem:s6], [sflag:s22] =	dma.local [hbm:s4], s20  }
0x9e: {  	_ =	swait.ge [sflag:s22], s20  }
0x9f: {  	s3 =	ssub.s32 $0x0, s20;
	[sflag:s22] =	ssyncset.done $0x0  }
0xa0: {  	[sflag:s22] =	ssyncadd.s32 s3;
	_ =	sdelay $0x1  }
0xa1: {  	s23 =	simm.s32 $0x1B8B  }
0xa2: {  	_ =	swait.ge [sflag:s23], $0x1  }
0xa3: {  	[sflag:s23] =	ssyncset.done $0x0  }
0xa4: {  	s25 =	simm.s32 $0x1B8E;
	s24 =	sld [smem:$0x3FFE];
	[sflag:s23] =	ssyncadd.s32 $0xFFFFFFFF  }
0xa5: {  	s26 =	simm.s32 $execute0_lowered;
	[smem:$0x3FD2] =	sst s25  }
0xa6: {  	s4 =	sshll.u32 s26, $0x1;
	_ =	strace $0x80000046;
	[dreg:$0x1] =	wrdreg $0xFFFFFFFF  }
0xa7: {  	s28 =	simm.s32 $_size_execute0_lowered;
	s2 =	sadd.s32 s2, s4;
	[dreg:$0x0] =	wrdreg $0x0  }
0xa8: {  	s4 =	sshll.u32 s28, $0x1;
	[dreg:$0x2] =	wrdreg s2  }
0xa9: {  	[dreg:$0x3] =	wrdreg s4  }
0xaa: {  	[dreg:$0x4] =	wrdreg $0xC0  }
0xab: {  	_ =	task [dreg:s6], $0x5FFFF  }
0xac: {  	[dreg:$0x1] =	wrdreg $0xFFFFFFFF  }
0xad: {  	[dreg:$0x0] =	wrdreg $0x60  }
0xae: {  	[dreg:$0x2] =	wrdreg s24  }
0xaf: {  	[dreg:$0x3] =	wrdreg $0x9  }
0xb0: {  	_ =	task.clear_ibuf [dreg:s6], $0x4FFFF;
	_ =	strace $0x90000046  }
0xb1: {  	s29 =	simm.s32 $0x9;
	_ =	strace $0x80000048  }
0xb2: {  	_ =	swait.ge [sflag:s29], $0x1  }
0xb3: {  	[sflag:s29] =	ssyncadd.s32 $0xFFFFFFFF  }
0xb4: {  	_ =	strace $0x90000048  }
0xb5: {  	_ =	sfence  }
0xb6: {  	s30 =	sld [smem:$0x0];
	_ =	sdelay $0x2  }
0xb7: {  	s31 =	sshll.u32 s1, $0xD;
	s1 =	sshrl.u32 s1, $0x2  }
0xb8: {  	s3 =	sand.u32 $0x4000, s31;
	s1 =	sadd.s32 s1, s30  }
0xb9: {  	s0 =	sor.u32 s3, s0;
	s1 =	sshll.u32 s1, $0x11  }
0xba: {  	s0 =	sor.u32 s1, s0  }
0xbb: {  	s0 =	sadd.s32 $0x8F2B, s0  }
0xbc: {  	[sflag:s0] =	ssyncadd.remote.s32 $0x1  }
0xbd: {  	_ =	sfence.sel $0xFFFF  }
0xbe: {  	[dreg:$0x0] =	wrdreg $0xFFFFFFFF;
	(pc) =	sbr.abs _section_cstart, $3  }
0xbf: {  	[dreg:$0x1] =	wrdreg $0xFFFFFFFF  }
0xc0: {  	_ =	task.clear_ibuf [dreg:s6], $0x2FFFF;
	_ =	strace $0x9FFFFFFF  }
0xc1: {  	(tm) =	ssettm $0x7FFFFFFF  }
tec
execute0_lowered:
.L_overlay_start_1:
0x0: {  	(tag) =	ssettag $0x1  }
0x1: {  	s1 =	srdreg.scid;
	s0 =	stileid.u32  }
0x2: {  	s29 =	sand.u32 $0x1, s1;
	s30 =	sshll.u32 s0, $0x1  }
0x3: {  	s1 =	sor.u32 s29, s30  }
0x4: {  	s15 =	rddreg [dreg:$0x0];
	s2 =	simm.s32 $0x0;
	s3 =	smul.u32 $0x6400, s1  }
0x5: {  	[smem:$0x7FF] =	sst s2  }
0x6: {  	s26 =	sadd.s32 $0x19400, s15;
	s1 =	rddreg [dreg:$0x1];
	s30 =	sshrl.u32 s3, $0x3  }
0x7: {  	_ =	strace $0x80000047;
	s3 =	simm.s32 $0x2;
	s4 =	sadd.s32 s26, s30  }
0x8: {  	[tilespmem:s2], [sflag:$0x2] =	stream.linear.gather [hbm4b:s4+s2], $0xC80, $0x38;
	[tilespmem:$0x1C200] =	vst v63  }
0x9: {  	_ =	swait.ge [sflag:s3], $0xC80  }
0xa: {  	s28 =	sadd.s32 $0x400, s15;
	[sflag:s3] =	ssyncset.done $0x0  }
0xb: {  	s6 =	simm.s32 $0x1900;
	s5 =	sadd.s32 s28, s30;
	[sflag:s3] =	ssyncadd.s32 $0xFFFFF380  }
0xc: {  	[tilespmem:s6], [sflag:$0x2] =	stream.linear.gather [hbm4b:s5+s2], $0xC80, $0x38;
	[tilespmem:$0x1C200] =	vst v63  }
0xd: {  	_ =	swait.ge [sflag:s3], $0xC80  }
0xe: {  	s8 =	simm.s32 $0xC80;
	s9 =	simm.s32 $0x3200;
	[sflag:s3] =	ssyncset.done $0x0  }
0xf: {  	s7 =	sadd.s32 $0x32400, s15;
	s11 =	sadd.s32 $0x190, s30;
	[sflag:s3] =	ssyncadd.s32 $0xFFFFF380  }
0x10: {  	[tilespmem:s9], [sflag:$0x1] =	stream.indirect.gather [hbm4b:s7+s8], $0x10, s2, s8, $0xb8;
	[tilespmem:$0x1C200] =	vst v63  }
0x11: {  	s10 =	sadd.s32 s26, s11  }
0x12: {  	[tilespmem:s8], [sflag:$0x2] =	stream.linear.gather [hbm4b:s10+s2], $0xC80, $0x38;
	[tilespmem:$0x1C200] =	vst v63  }
0x13: {  	_ =	swait.ge [sflag:s3], $0xC80  }
0x14: {  	[sflag:s3] =	ssyncset.done $0x0  }
0x15: {  	s12 =	simm.s32 $0x2580;
	s11 =	sadd.s32 s28, s11;
	[sflag:s3] =	ssyncadd.s32 $0xFFFFF380  }
0x16: {  	[tilespmem:s12], [sflag:$0x2] =	stream.linear.gather [hbm4b:s11+s2], $0xC80, $0x38;
	[tilespmem:$0x1C200] =	vst v63  }
0x17: {  	_ =	swait.ge [sflag:s3], $0xC80  }
0x18: {  	[sflag:s3] =	ssyncset.done $0x0  }
0x19: {  	s13 =	simm.s32 $0x1;
	[sflag:s3] =	ssyncadd.s32 $0xFFFFF380  }
0x1a: {  	_ =	swait.ge [sflag:s13], $0xC800  }
0x1b: {  	[sflag:s13] =	ssyncset.done $0x0  }
0x1c: {  	s14 =	simm.s32 $0xFA00;
	[sflag:s13] =	ssyncadd.s32 $0xFFFF3800  }
0x1d: {  	[tilespmem:s14], [sflag:$0x1] =	stream.indirect.gather [hbm4b:s7+s8], $0x10, s8, s8, $0xb8;
	[tilespmem:$0x1C200] =	vst v63  }
0x1e: {  	s15 =	sadd.s32 $0x52400, s15  }
0x1f: {  	[hbm4b:s15+s8] =	stream.indirect.scatter [tilespmem:s9], [sflag:$0x2], $0x10, s6, s8, $0xb8;
	[tilespmem:$0x1C200] =	vst v63  }
0x20: {  	_ =	swait.ge [sflag:s3], $0xC800  }
0x21: {  	s17 =	sadd.s32 $0x320, s30;
	[sflag:s3] =	ssyncset.done $0x0  }
0x22: {  	s16 =	sadd.s32 s26, s17;
	[sflag:s3] =	ssyncadd.s32 $0xFFFF3800  }
0x23: {  	[tilespmem:s2], [sflag:$0x2] =	stream.linear.gather [hbm4b:s16+s2], $0xC80, $0x38;
	[tilespmem:$0x1C200] =	vst v63  }
0x24: {  	_ =	swait.ge [sflag:s3], $0xC80  }
0x25: {  	[sflag:s3] =	ssyncset.done $0x0  }
0x26: {  	s17 =	sadd.s32 s28, s17;
	[sflag:s3] =	ssyncadd.s32 $0xFFFFF380  }
0x27: {  	[tilespmem:s6], [sflag:$0x2] =	stream.linear.gather [hbm4b:s17+s2], $0xC80, $0x38;
	[tilespmem:$0x1C200] =	vst v63  }
0x28: {  	_ =	swait.ge [sflag:s3], $0xC80  }
0x29: {  	[sflag:s3] =	ssyncset.done $0x0  }
0x2a: {  	[sflag:s3] =	ssyncadd.s32 $0xFFFFF380  }
0x2b: {  	_ =	swait.ge [sflag:s13], $0xC800  }
0x2c: {  	[sflag:s13] =	ssyncset.done $0x0  }
0x2d: {  	[sflag:s13] =	ssyncadd.s32 $0xFFFF3800  }
0x2e: {  	[tilespmem:s9], [sflag:$0x1] =	stream.indirect.gather [hbm4b:s7+s8], $0x10, s2, s8, $0xb8;
	[tilespmem:$0x1C200] =	vst v63  }
0x2f: {  	_ = 	snop  }
0x30: {  	[hbm4b:s15+s8] =	stream.indirect.scatter [tilespmem:s14], [sflag:$0x2], $0x10, s12, s8, $0xb8;
	[tilespmem:$0x1C200] =	vst v63  }
0x31: {  	_ =	swait.ge [sflag:s3], $0xC800  }
0x32: {  	s19 =	sadd.s32 $0x4B0, s30;
	[sflag:s3] =	ssyncset.done $0x0  }
0x33: {  	s18 =	sadd.s32 s26, s19;
	[sflag:s3] =	ssyncadd.s32 $0xFFFF3800  }
0x34: {  	[tilespmem:s8], [sflag:$0x2] =	stream.linear.gather [hbm4b:s18+s2], $0xC80, $0x38;
	[tilespmem:$0x1C200] =	vst v63  }
0x35: {  	_ =	swait.ge [sflag:s3], $0xC80  }
0x36: {  	[sflag:s3] =	ssyncset.done $0x0  }
0x37: {  	s19 =	sadd.s32 s28, s19;
	[sflag:s3] =	ssyncadd.s32 $0xFFFFF380  }
0x38: {  	[tilespmem:s12], [sflag:$0x2] =	stream.linear.gather [hbm4b:s19+s2], $0xC80, $0x38;
	[tilespmem:$0x1C200] =	vst v63  }
0x39: {  	_ =	swait.ge [sflag:s3], $0xC80  }
0x3a: {  	[sflag:s3] =	ssyncset.done $0x0  }
0x3b: {  	[sflag:s3] =	ssyncadd.s32 $0xFFFFF380  }
0x3c: {  	_ =	swait.ge [sflag:s13], $0xC800  }
0x3d: {  	[sflag:s13] =	ssyncset.done $0x0  }
0x3e: {  	[sflag:s13] =	ssyncadd.s32 $0xFFFF3800  }
0x3f: {  	[tilespmem:s14], [sflag:$0x1] =	stream.indirect.gather [hbm4b:s7+s8], $0x10, s8, s8, $0xb8;
	[tilespmem:$0x1C200] =	vst v63  }
0x40: {  	_ = 	snop  }
0x41: {  	[hbm4b:s15+s8] =	stream.indirect.scatter [tilespmem:s9], [sflag:$0x2], $0x10, s6, s8, $0xb8;
	[tilespmem:$0x1C200] =	vst v63  }
0x42: {  	_ =	swait.ge [sflag:s3], $0xC800  }
0x43: {  	s21 =	sadd.s32 $0x640, s30;
	[sflag:s3] =	ssyncset.done $0x0  }
0x44: {  	s20 =	sadd.s32 s26, s21;
	[sflag:s3] =	ssyncadd.s32 $0xFFFF3800  }
0x45: {  	[tilespmem:s2], [sflag:$0x2] =	stream.linear.gather [hbm4b:s20+s2], $0xC80, $0x38;
	[tilespmem:$0x1C200] =	vst v63  }
0x46: {  	_ =	swait.ge [sflag:s3], $0xC80  }
0x47: {  	[sflag:s3] =	ssyncset.done $0x0  }
0x48: {  	s21 =	sadd.s32 s28, s21;
	[sflag:s3] =	ssyncadd.s32 $0xFFFFF380  }
0x49: {  	[tilespmem:s6], [sflag:$0x2] =	stream.linear.gather [hbm4b:s21+s2], $0xC80, $0x38;
	[tilespmem:$0x1C200] =	vst v63  }
0x4a: {  	_ =	swait.ge [sflag:s3], $0xC80  }
0x4b: {  	[sflag:s3] =	ssyncset.done $0x0  }
0x4c: {  	[sflag:s3] =	ssyncadd.s32 $0xFFFFF380  }
0x4d: {  	_ =	swait.ge [sflag:s13], $0xC800  }
0x4e: {  	[sflag:s13] =	ssyncset.done $0x0  }
0x4f: {  	[sflag:s13] =	ssyncadd.s32 $0xFFFF3800  }
0x50: {  	[tilespmem:s9], [sflag:$0x1] =	stream.indirect.gather [hbm4b:s7+s8], $0x10, s2, s8, $0xb8;
	[tilespmem:$0x1C200] =	vst v63  }
0x51: {  	_ = 	snop  }
0x52: {  	[hbm4b:s15+s8] =	stream.indirect.scatter [tilespmem:s14], [sflag:$0x2], $0x10, s12, s8, $0xb8;
	[tilespmem:$0x1C200] =	vst v63  }
0x53: {  	_ =	swait.ge [sflag:s3], $0xC800  }
0x54: {  	s23 =	sadd.s32 $0x7D0, s30;
	[sflag:s3] =	ssyncset.done $0x0  }
0x55: {  	s22 =	sadd.s32 s26, s23;
	[sflag:s3] =	ssyncadd.s32 $0xFFFF3800  }
0x56: {  	[tilespmem:s8], [sflag:$0x2] =	stream.linear.gather [hbm4b:s22+s2], $0xC80, $0x38;
	[tilespmem:$0x1C200] =	vst v63  }
0x57: {  	_ =	swait.ge [sflag:s3], $0xC80  }
0x58: {  	[sflag:s3] =	ssyncset.done $0x0  }
0x59: {  	s23 =	sadd.s32 s28, s23;
	[sflag:s3] =	ssyncadd.s32 $0xFFFFF380  }
0x5a: {  	[tilespmem:s12], [sflag:$0x2] =	stream.linear.gather [hbm4b:s23+s2], $0xC80, $0x38;
	[tilespmem:$0x1C200] =	vst v63  }
0x5b: {  	_ =	swait.ge [sflag:s3], $0xC80  }
0x5c: {  	[sflag:s3] =	ssyncset.done $0x0  }
0x5d: {  	[sflag:s3] =	ssyncadd.s32 $0xFFFFF380  }
0x5e: {  	_ =	swait.ge [sflag:s13], $0xC800  }
0x5f: {  	[sflag:s13] =	ssyncset.done $0x0  }
0x60: {  	[sflag:s13] =	ssyncadd.s32 $0xFFFF3800  }
0x61: {  	[tilespmem:s14], [sflag:$0x1] =	stream.indirect.gather [hbm4b:s7+s8], $0x10, s8, s8, $0xb8;
	[tilespmem:$0x1C200] =	vst v63  }
0x62: {  	_ = 	snop  }
0x63: {  	[hbm4b:s15+s8] =	stream.indirect.scatter [tilespmem:s9], [sflag:$0x2], $0x10, s6, s8, $0xb8;
	[tilespmem:$0x1C200] =	vst v63  }
0x64: {  	_ =	swait.ge [sflag:s3], $0xC800  }
0x65: {  	s25 =	sadd.s32 $0x960, s30;
	[sflag:s3] =	ssyncset.done $0x0  }
0x66: {  	s24 =	sadd.s32 s26, s25;
	[sflag:s3] =	ssyncadd.s32 $0xFFFF3800  }
0x67: {  	[tilespmem:s2], [sflag:$0x2] =	stream.linear.gather [hbm4b:s24+s2], $0xC80, $0x38;
	[tilespmem:$0x1C200] =	vst v63  }
0x68: {  	_ =	swait.ge [sflag:s3], $0xC80  }
0x69: {  	[sflag:s3] =	ssyncset.done $0x0  }
0x6a: {  	s25 =	sadd.s32 s28, s25;
	[sflag:s3] =	ssyncadd.s32 $0xFFFFF380  }
0x6b: {  	[tilespmem:s6], [sflag:$0x2] =	stream.linear.gather [hbm4b:s25+s2], $0xC80, $0x38;
	[tilespmem:$0x1C200] =	vst v63  }
0x6c: {  	_ =	swait.ge [sflag:s3], $0xC80  }
0x6d: {  	[sflag:s3] =	ssyncset.done $0x0  }
0x6e: {  	[sflag:s3] =	ssyncadd.s32 $0xFFFFF380  }
0x6f: {  	_ =	swait.ge [sflag:s13], $0xC800  }
0x70: {  	[sflag:s13] =	ssyncset.done $0x0  }
0x71: {  	[sflag:s13] =	ssyncadd.s32 $0xFFFF3800  }
0x72: {  	[tilespmem:s9], [sflag:$0x1] =	stream.indirect.gather [hbm4b:s7+s8], $0x10, s2, s8, $0xb8;
	[tilespmem:$0x1C200] =	vst v63  }
0x73: {  	_ = 	snop  }
0x74: {  	[hbm4b:s15+s8] =	stream.indirect.scatter [tilespmem:s14], [sflag:$0x2], $0x10, s12, s8, $0xb8;
	[tilespmem:$0x1C200] =	vst v63  }
0x75: {  	_ =	swait.ge [sflag:s3], $0xC800  }
0x76: {  	s30 =	sadd.s32 $0xAF0, s30;
	[sflag:s3] =	ssyncset.done $0x0  }
0x77: {  	s26 =	sadd.s32 s26, s30;
	[sflag:s3] =	ssyncadd.s32 $0xFFFF3800  }
0x78: {  	[tilespmem:s8], [sflag:$0x2] =	stream.linear.gather [hbm4b:s26+s2], $0xC80, $0x38;
	[tilespmem:$0x1C200] =	vst v63  }
0x79: {  	_ =	swait.ge [sflag:s3], $0xC80  }
0x7a: {  	[sflag:s3] =	ssyncset.done $0x0  }
0x7b: {  	s28 =	sadd.s32 s28, s30;
	[sflag:s3] =	ssyncadd.s32 $0xFFFFF380  }
0x7c: {  	[tilespmem:s12], [sflag:$0x2] =	stream.linear.gather [hbm4b:s28+s2], $0xC80, $0x38;
	[tilespmem:$0x1C200] =	vst v63  }
0x7d: {  	_ =	swait.ge [sflag:s3], $0xC80  }
0x7e: {  	[sflag:s3] =	ssyncset.done $0x0  }
0x7f: {  	[sflag:s3] =	ssyncadd.s32 $0xFFFFF380  }
0x80: {  	_ =	swait.ge [sflag:s13], $0xC800  }
0x81: {  	[sflag:s13] =	ssyncset.done $0x0  }
0x82: {  	[sflag:s13] =	ssyncadd.s32 $0xFFFF3800  }
0x83: {  	[tilespmem:s14], [sflag:$0x1] =	stream.indirect.gather [hbm4b:s7+s8], $0x10, s8, s8, $0xb8;
	[tilespmem:$0x1C200] =	vst v63  }
0x84: {  	s29 =	ssub.s32 $0x2, s29  }
0x85: {  	[hbm4b:s15+s8] =	stream.indirect.scatter [tilespmem:s9], [sflag:$0x2], $0x10, s6, s8, $0xb8;
	[tilespmem:$0x1C200] =	vst v63  }
0x86: {  	s31 =	sshrl.u32 s29, $0x1;
	_ =	swait.ge [sflag:s3], $0xC800  }
0x87: {  	s29 =	ssub.s32 s29, s31;
	[sflag:s3] =	ssyncset.done $0x0  }
0x88: {  	s29 =	smax.u32 s29, $0x1;
	[sflag:s3] =	ssyncadd.s32 $0xFFFF3800  }
0x89: {  	p0 =	sne.s32 s29, $0x1;
	_ =	swait.ge [sflag:s13], $0xC800  }
.Ltmp0:
0x8a: {  	[sflag:s13] =	ssyncset.done $0x0;
	(pc) =	sbr.rel @!p0 .LBB2_2-.Ltmp0, $4  }
0x8b: {  	[sflag:s13] =	ssyncadd.s32 $0xFFFF3800  }
0x8c: {  	[hbm4b:s15+s8] =	stream.indirect.scatter [tilespmem:s14], [sflag:$0x2], $0x10, s12, s8, $0xb8;
	[tilespmem:$0x1C200] =	vst v63  }
0x8d: {  	_ =	swait.ge [sflag:s3], $0xC800  }
0x8e: {  	s29 =	sadd.s32 $0xFFFFFFFF, s29;
	[sflag:s3] =	ssyncset.done $0x0  }
.LBB2_1:
0x8f: {  	p0 =	sne.s32 s29, $0x1;
	s29 =	sadd.s32 $0xFFFFFFFF, s29;
	[sflag:s3] =	ssyncadd.s32 $0xFFFF3800  }
0x90: {  	[tilespmem:s2], [sflag:$0x2] =	stream.linear.gather [hbm4b:s4+s2], $0xC80, $0x38;
	[tilespmem:$0x1C200] =	vst v63  }
0x91: {  	_ =	swait.ge [sflag:s3], $0xC80  }
0x92: {  	[sflag:s3] =	ssyncset.done $0x0  }
0x93: {  	[sflag:s3] =	ssyncadd.s32 $0xFFFFF380  }
0x94: {  	[tilespmem:s6], [sflag:$0x2] =	stream.linear.gather [hbm4b:s5+s2], $0xC80, $0x38;
	[tilespmem:$0x1C200] =	vst v63  }
0x95: {  	_ =	swait.ge [sflag:s3], $0xC80  }
0x96: {  	[sflag:s3] =	ssyncset.done $0x0  }
0x97: {  	[sflag:s3] =	ssyncadd.s32 $0xFFFFF380  }
0x98: {  	[tilespmem:s9], [sflag:$0x1] =	stream.indirect.gather [hbm4b:s7+s8], $0x10, s2, s8, $0xb8;
	[tilespmem:$0x1C200] =	vst v63  }
0x99: {  	_ = 	snop  }
0x9a: {  	[tilespmem:s8], [sflag:$0x2] =	stream.linear.gather [hbm4b:s10+s2], $0xC80, $0x38;
	[tilespmem:$0x1C200] =	vst v63  }
0x9b: {  	_ =	swait.ge [sflag:s3], $0xC80  }
0x9c: {  	[sflag:s3] =	ssyncset.done $0x0  }
0x9d: {  	[sflag:s3] =	ssyncadd.s32 $0xFFFFF380  }
0x9e: {  	[tilespmem:s12], [sflag:$0x2] =	stream.linear.gather [hbm4b:s11+s2], $0xC80, $0x38;
	[tilespmem:$0x1C200] =	vst v63  }
0x9f: {  	_ =	swait.ge [sflag:s3], $0xC80  }
0xa0: {  	[sflag:s3] =	ssyncset.done $0x0  }
0xa1: {  	[sflag:s3] =	ssyncadd.s32 $0xFFFFF380  }
0xa2: {  	_ =	swait.ge [sflag:s13], $0xC800  }
0xa3: {  	[sflag:s13] =	ssyncset.done $0x0  }
0xa4: {  	[sflag:s13] =	ssyncadd.s32 $0xFFFF3800  }
0xa5: {  	[tilespmem:s14], [sflag:$0x1] =	stream.indirect.gather [hbm4b:s7+s8], $0x10, s8, s8, $0xb8;
	[tilespmem:$0x1C200] =	vst v63  }
0xa6: {  	_ = 	snop  }
0xa7: {  	[hbm4b:s15+s8] =	stream.indirect.scatter [tilespmem:s9], [sflag:$0x2], $0x10, s6, s8, $0xb8;
	[tilespmem:$0x1C200] =	vst v63  }
0xa8: {  	_ =	swait.ge [sflag:s3], $0xC800  }
0xa9: {  	[sflag:s3] =	ssyncset.done $0x0  }
0xaa: {  	[sflag:s3] =	ssyncadd.s32 $0xFFFF3800  }
0xab: {  	[tilespmem:s2], [sflag:$0x2] =	stream.linear.gather [hbm4b:s16+s2], $0xC80, $0x38;
	[tilespmem:$0x1C200] =	vst v63  }
0xac: {  	_ =	swait.ge [sflag:s3], $0xC80  }
0xad: {  	[sflag:s3] =	ssyncset.done $0x0  }
0xae: {  	[sflag:s3] =	ssyncadd.s32 $0xFFFFF380  }
0xaf: {  	[tilespmem:s6], [sflag:$0x2] =	stream.linear.gather [hbm4b:s17+s2], $0xC80, $0x38;
	[tilespmem:$0x1C200] =	vst v63  }
0xb0: {  	_ =	swait.ge [sflag:s3], $0xC80  }
0xb1: {  	[sflag:s3] =	ssyncset.done $0x0  }
0xb2: {  	[sflag:s3] =	ssyncadd.s32 $0xFFFFF380  }
0xb3: {  	_ =	swait.ge [sflag:s13], $0xC800  }
0xb4: {  	[sflag:s13] =	ssyncset.done $0x0  }
0xb5: {  	[sflag:s13] =	ssyncadd.s32 $0xFFFF3800  }
0xb6: {  	[tilespmem:s9], [sflag:$0x1] =	stream.indirect.gather [hbm4b:s7+s8], $0x10, s2, s8, $0xb8;
	[tilespmem:$0x1C200] =	vst v63  }
0xb7: {  	_ = 	snop  }
0xb8: {  	[hbm4b:s15+s8] =	stream.indirect.scatter [tilespmem:s14], [sflag:$0x2], $0x10, s12, s8, $0xb8;
	[tilespmem:$0x1C200] =	vst v63  }
0xb9: {  	_ =	swait.ge [sflag:s3], $0xC800  }
0xba: {  	[sflag:s3] =	ssyncset.done $0x0  }
0xbb: {  	[sflag:s3] =	ssyncadd.s32 $0xFFFF3800  }
0xbc: {  	[tilespmem:s8], [sflag:$0x2] =	stream.linear.gather [hbm4b:s18+s2], $0xC80, $0x38;
	[tilespmem:$0x1C200] =	vst v63  }
0xbd: {  	_ =	swait.ge [sflag:s3], $0xC80  }
0xbe: {  	[sflag:s3] =	ssyncset.done $0x0  }
0xbf: {  	[sflag:s3] =	ssyncadd.s32 $0xFFFFF380  }
0xc0: {  	[tilespmem:s12], [sflag:$0x2] =	stream.linear.gather [hbm4b:s19+s2], $0xC80, $0x38;
	[tilespmem:$0x1C200] =	vst v63  }
0xc1: {  	_ =	swait.ge [sflag:s3], $0xC80  }
0xc2: {  	[sflag:s3] =	ssyncset.done $0x0  }
0xc3: {  	[sflag:s3] =	ssyncadd.s32 $0xFFFFF380  }
0xc4: {  	_ =	swait.ge [sflag:s13], $0xC800  }
0xc5: {  	[sflag:s13] =	ssyncset.done $0x0  }
0xc6: {  	[sflag:s13] =	ssyncadd.s32 $0xFFFF3800  }
0xc7: {  	[tilespmem:s14], [sflag:$0x1] =	stream.indirect.gather [hbm4b:s7+s8], $0x10, s8, s8, $0xb8;
	[tilespmem:$0x1C200] =	vst v63  }
0xc8: {  	_ = 	snop  }
0xc9: {  	[hbm4b:s15+s8] =	stream.indirect.scatter [tilespmem:s9], [sflag:$0x2], $0x10, s6, s8, $0xb8;
	[tilespmem:$0x1C200] =	vst v63  }
0xca: {  	_ =	swait.ge [sflag:s3], $0xC800  }
0xcb: {  	[sflag:s3] =	ssyncset.done $0x0  }
0xcc: {  	[sflag:s3] =	ssyncadd.s32 $0xFFFF3800  }
0xcd: {  	[tilespmem:s2], [sflag:$0x2] =	stream.linear.gather [hbm4b:s20+s2], $0xC80, $0x38;
	[tilespmem:$0x1C200] =	vst v63  }
0xce: {  	_ =	swait.ge [sflag:s3], $0xC80  }
0xcf: {  	[sflag:s3] =	ssyncset.done $0x0  }
0xd0: {  	[sflag:s3] =	ssyncadd.s32 $0xFFFFF380  }
0xd1: {  	[tilespmem:s6], [sflag:$0x2] =	stream.linear.gather [hbm4b:s21+s2], $0xC80, $0x38;
	[tilespmem:$0x1C200] =	vst v63  }
0xd2: {  	_ =	swait.ge [sflag:s3], $0xC80  }
0xd3: {  	[sflag:s3] =	ssyncset.done $0x0  }
0xd4: {  	[sflag:s3] =	ssyncadd.s32 $0xFFFFF380  }
0xd5: {  	_ =	swait.ge [sflag:s13], $0xC800  }
0xd6: {  	[sflag:s13] =	ssyncset.done $0x0  }
0xd7: {  	[sflag:s13] =	ssyncadd.s32 $0xFFFF3800  }
0xd8: {  	[tilespmem:s9], [sflag:$0x1] =	stream.indirect.gather [hbm4b:s7+s8], $0x10, s2, s8, $0xb8;
	[tilespmem:$0x1C200] =	vst v63  }
0xd9: {  	_ = 	snop  }
0xda: {  	[hbm4b:s15+s8] =	stream.indirect.scatter [tilespmem:s14], [sflag:$0x2], $0x10, s12, s8, $0xb8;
	[tilespmem:$0x1C200] =	vst v63  }
0xdb: {  	_ =	swait.ge [sflag:s3], $0xC800  }
0xdc: {  	[sflag:s3] =	ssyncset.done $0x0  }
0xdd: {  	[sflag:s3] =	ssyncadd.s32 $0xFFFF3800  }
0xde: {  	[tilespmem:s8], [sflag:$0x2] =	stream.linear.gather [hbm4b:s22+s2], $0xC80, $0x38;
	[tilespmem:$0x1C200] =	vst v63  }
0xdf: {  	_ =	swait.ge [sflag:s3], $0xC80  }
0xe0: {  	[sflag:s3] =	ssyncset.done $0x0  }
0xe1: {  	[sflag:s3] =	ssyncadd.s32 $0xFFFFF380  }
0xe2: {  	[tilespmem:s12], [sflag:$0x2] =	stream.linear.gather [hbm4b:s23+s2], $0xC80, $0x38;
	[tilespmem:$0x1C200] =	vst v63  }
0xe3: {  	_ =	swait.ge [sflag:s3], $0xC80  }
0xe4: {  	[sflag:s3] =	ssyncset.done $0x0  }
0xe5: {  	[sflag:s3] =	ssyncadd.s32 $0xFFFFF380  }
0xe6: {  	_ =	swait.ge [sflag:s13], $0xC800  }
0xe7: {  	[sflag:s13] =	ssyncset.done $0x0  }
0xe8: {  	[sflag:s13] =	ssyncadd.s32 $0xFFFF3800  }
0xe9: {  	[tilespmem:s14], [sflag:$0x1] =	stream.indirect.gather [hbm4b:s7+s8], $0x10, s8, s8, $0xb8;
	[tilespmem:$0x1C200] =	vst v63  }
0xea: {  	_ = 	snop  }
0xeb: {  	[hbm4b:s15+s8] =	stream.indirect.scatter [tilespmem:s9], [sflag:$0x2], $0x10, s6, s8, $0xb8;
	[tilespmem:$0x1C200] =	vst v63  }
0xec: {  	_ =	swait.ge [sflag:s3], $0xC800  }
0xed: {  	[sflag:s3] =	ssyncset.done $0x0  }
0xee: {  	[sflag:s3] =	ssyncadd.s32 $0xFFFF3800  }
0xef: {  	[tilespmem:s2], [sflag:$0x2] =	stream.linear.gather [hbm4b:s24+s2], $0xC80, $0x38;
	[tilespmem:$0x1C200] =	vst v63  }
0xf0: {  	_ =	swait.ge [sflag:s3], $0xC80  }
0xf1: {  	[sflag:s3] =	ssyncset.done $0x0  }
0xf2: {  	[sflag:s3] =	ssyncadd.s32 $0xFFFFF380  }
0xf3: {  	[tilespmem:s6], [sflag:$0x2] =	stream.linear.gather [hbm4b:s25+s2], $0xC80, $0x38;
	[tilespmem:$0x1C200] =	vst v63  }
0xf4: {  	_ =	swait.ge [sflag:s3], $0xC80  }
0xf5: {  	[sflag:s3] =	ssyncset.done $0x0  }
0xf6: {  	[sflag:s3] =	ssyncadd.s32 $0xFFFFF380  }
0xf7: {  	_ =	swait.ge [sflag:s13], $0xC800  }
0xf8: {  	[sflag:s13] =	ssyncset.done $0x0  }
0xf9: {  	[sflag:s13] =	ssyncadd.s32 $0xFFFF3800  }
0xfa: {  	[tilespmem:s9], [sflag:$0x1] =	stream.indirect.gather [hbm4b:s7+s8], $0x10, s2, s8, $0xb8;
	[tilespmem:$0x1C200] =	vst v63  }
0xfb: {  	_ = 	snop  }
0xfc: {  	[hbm4b:s15+s8] =	stream.indirect.scatter [tilespmem:s14], [sflag:$0x2], $0x10, s12, s8, $0xb8;
	[tilespmem:$0x1C200] =	vst v63  }
0xfd: {  	_ =	swait.ge [sflag:s3], $0xC800  }
0xfe: {  	[sflag:s3] =	ssyncset.done $0x0  }
0xff: {  	[sflag:s3] =	ssyncadd.s32 $0xFFFF3800  }
0x100: {  	[tilespmem:s8], [sflag:$0x2] =	stream.linear.gather [hbm4b:s26+s2], $0xC80, $0x38;
	[tilespmem:$0x1C200] =	vst v63  }
0x101: {  	_ =	swait.ge [sflag:s3], $0xC80  }
0x102: {  	[sflag:s3] =	ssyncset.done $0x0  }
0x103: {  	[sflag:s3] =	ssyncadd.s32 $0xFFFFF380  }
0x104: {  	[tilespmem:s12], [sflag:$0x2] =	stream.linear.gather [hbm4b:s28+s2], $0xC80, $0x38;
	[tilespmem:$0x1C200] =	vst v63  }
0x105: {  	_ =	swait.ge [sflag:s3], $0xC80  }
0x106: {  	[sflag:s3] =	ssyncset.done $0x0  }
0x107: {  	[sflag:s3] =	ssyncadd.s32 $0xFFFFF380  }
0x108: {  	_ =	swait.ge [sflag:s13], $0xC800  }
0x109: {  	[sflag:s13] =	ssyncset.done $0x0  }
0x10a: {  	[sflag:s13] =	ssyncadd.s32 $0xFFFF3800  }
0x10b: {  	[tilespmem:s14], [sflag:$0x1] =	stream.indirect.gather [hbm4b:s7+s8], $0x10, s8, s8, $0xb8;
	[tilespmem:$0x1C200] =	vst v63  }
0x10c: {  	_ = 	snop  }
0x10d: {  	[hbm4b:s15+s8] =	stream.indirect.scatter [tilespmem:s9], [sflag:$0x2], $0x10, s6, s8, $0xb8;
	[tilespmem:$0x1C200] =	vst v63  }
0x10e: {  	_ =	swait.ge [sflag:s3], $0xC800  }
0x10f: {  	[sflag:s3] =	ssyncset.done $0x0  }
0x110: {  	[sflag:s3] =	ssyncadd.s32 $0xFFFF3800  }
0x111: {  	_ =	swait.ge [sflag:s13], $0xC800  }
.Ltmp1:
0x112: {  	[sflag:s13] =	ssyncset.done $0x0;
	(pc) =	sbr.rel @p0 .LBB2_1-.Ltmp1, $4  }
0x113: {  	[sflag:s13] =	ssyncadd.s32 $0xFFFF3800  }
0x114: {  	[hbm4b:s15+s8] =	stream.indirect.scatter [tilespmem:s14], [sflag:$0x2], $0x10, s12, s8, $0xb8;
	[tilespmem:$0x1C200] =	vst v63  }
0x115: {  	_ =	swait.ge [sflag:s3], $0xC800  }
0x116: {  	[sflag:s3] =	ssyncset.done $0x0  }
.LBB2_2:
0x117: {  	[sflag:s3] =	ssyncadd.s32 $0xFFFF3800  }
0x118: {  	_ =	sfence.sel $0x180000  }
0x119: {  	[bflag:$0x0] =	sbarrier.arrive $0xFFFF  }
0x11a: {  	p0 =	sne.s32 s0, $0x0;
	_ =	strace $0x90000047  }
0x11b: {  	s0 =	sadd.s32 @!p0 $0x100000, s1;
	[bflag:$0x2] =	sbarrier.arrive $0xFFFF  }
0x11c: {  	[sflag:s0] =	ssyncadd.tile.s32 @!p0 $0x1;
	_ =	shalt  }
.Lfunc_end2:
_tile_overlayer_lowered:
.L_overlay_start_2:
0x11d: {  	(tag) =	ssettag $0x2  }
0x11e: {  	s0 =	rddreg [dreg:$0x0];
	s2 =	stileid.u32  }
0x11f: {  	s1 =	rddreg [dreg:$0x1];
	p0 =	sne.s32 s2, $0x0  }
0x120: {  	s3 =	rddreg [dreg:$0x2];
	[bflag:$0x3] =	sbarrier.arrive $0xFFFF;
	s2 =	simm.s32 @!p0 $0x1C02  }
0x121: {  	[timem:s3], [sflag:s2] =	dma.local @!p0 [hbm:s0], s1  }
0x122: {  	s0 =	simm.s32 @!p0 $0x2  }
0x123: {  	_ =	swait.ge @!p0 [sflag:s0], s1  }
0x124: {  	s1 =	ssub.s32 @!p0 $0x0, s1;
	[sflag:s0] =	ssyncset.done @!p0 $0x0  }
0x125: {  	[sflag:s0] =	ssyncadd.s32 @!p0 s1  }
0x126: {  	[bflag:$0x3] =	sbarrier.arrive $0xFFFF  }
0x127: {  	_ =	shalt  }

</sc_bundles>
